<compile_context>
chip_gen: v7x
topology: tpu7x:2x2x1
jax: 0.10.2.dev20260603
libtpu: 0.0.44.dev20260713+nightly
codegen_flags: <defaults>
</compile_context>

<pallas_src>
import functools

import jax
import jax.numpy as jnp
from jax import lax
from jax.experimental import pallas as pl
from jax.experimental.pallas import tpu as pltpu
from jax.experimental.pallas import tpu_sc as plsc

B = 4096
LSEQ = 500
V = 10000
D = 100

NC = 2
NS = 16
L = 16
NW = NC * NS
BPW = B // NW

DP = 128
NCH = DP // L
LP = 512
GCH = 128
NG = LP // GCH
VP = V + L

INV_N = 1.0 / LSEQ


def _sc_pool(x3, table_p):
    mesh = plsc.VectorSubcoreMesh(
        core_axis_name="c", subcore_axis_name="s",
        num_cores=NC, num_subcores=NS)

    @functools.partial(
        pl.kernel,
        out_type=jax.ShapeDtypeStruct((B, DP), jnp.float32),
        mesh=mesh,
        scratch_types=[
            pltpu.VMEM((NG, GCH), jnp.int32),
            pltpu.VMEM((2, GCH, DP), jnp.float32),
            pltpu.VMEM((DP,), jnp.float32),
            pltpu.SemaphoreType.DMA,
            pltpu.SemaphoreType.DMA,
        ],
    )
    def k(x_hbm, tab_hbm, out_hbm, idx_v, rows_v, orow_v, sem0, sem1):
        wid = lax.axis_index("s") * NC + lax.axis_index("c")
        base = wid * BPW
        sems = (sem0, sem1)

        def row_body(j, _):
            b = base + j
            pltpu.sync_copy(x_hbm.at[b], idx_v)

            def start(kk):
                return pltpu.async_copy(
                    tab_hbm.at[idx_v.at[kk]], rows_v.at[kk % 2], sems[kk % 2])

            cp = start(0)
            acc = tuple(jnp.zeros((L,), jnp.float32) for _ in range(NCH))
            for kk in range(NG):
                nxt = start(kk + 1) if kk + 1 < NG else None
                cp.wait()

                def acc_body(r, a, _p=kk % 2):
                    return tuple(
                        a[c] + rows_v[_p, r, pl.ds(c * L, L)]
                        for c in range(NCH))

                acc = lax.fori_loop(0, GCH, acc_body, acc)
                cp = nxt

            for c in range(NCH):
                orow_v[pl.ds(c * L, L)] = acc[c]
            pltpu.sync_copy(orow_v, out_hbm.at[b])
            return 0

        lax.fori_loop(0, BPW, row_body, 0)

    return k(x3, table_p)


def _tc_mlp(psum, W1p, b1, W2, b2):
    BLK = 512

    def body(p_ref, w1_ref, b1_ref, w2_ref, b2_ref, o_ref):
        p = p_ref[...] * INV_N
        h = jnp.dot(p, w1_ref[...], preferred_element_type=jnp.float32)
        h = jnp.maximum(h + b1_ref[...], 0.0)
        z = jnp.dot(h, w2_ref[...], preferred_element_type=jnp.float32)
        z = z + b2_ref[...]
        m = jnp.max(z, axis=-1, keepdims=True)
        e = jnp.exp(z - m)
        o_ref[...] = e / jnp.sum(e, axis=-1, keepdims=True)

    return pl.pallas_call(
        body,
        grid=(B // BLK,),
        in_specs=[
            pl.BlockSpec((BLK, DP), lambda i: (i, 0)),
            pl.BlockSpec((DP, 160), lambda i: (0, 0)),
            pl.BlockSpec((1, 160), lambda i: (0, 0)),
            pl.BlockSpec((160, 1), lambda i: (0, 0)),
            pl.BlockSpec((1, 1), lambda i: (0, 0)),
        ],
        out_specs=pl.BlockSpec((BLK, 1), lambda i: (i, 0)),
        out_shape=jax.ShapeDtypeStruct((B, 1), jnp.float32),
    )(psum, W1p, b1.reshape(1, 160), W2, b2.reshape(1, 1))


def kernel(x, table, W1, b1, W2, b2):
    x = x.astype(jnp.int32)
    table_p = jnp.pad(table, ((0, VP - V), (0, DP - D)))
    pad = (V + (jnp.arange(LP - LSEQ, dtype=jnp.int32) % L))[None, :]
    xp = jnp.concatenate([x, jnp.broadcast_to(pad, (B, LP - LSEQ))], axis=1)
    x3 = xp.reshape(B, NG, GCH)

    psum = _sc_pool(x3, table_p)

    W1p = jnp.pad(W1, ((0, DP - D), (0, 0)))
    return _tc_mlp(psum, W1p, b1, W2, b2)

# --- scband reference (transcript-rebuilt; emitter-appended) ---
"""Pipeline reference for scband-my-model-86294482911277 (READ-ONLY COPY).

The authoritative reference and input builder live on the scoring server;
editing this copy changes nothing except your own understanding.
"""

import jax, jax.numpy as jnp
import numpy as np

VOCAB = 10000
EMBED = 100
MAXLEN = 500
BATCH = 4096

def setup_inputs(seed: int = 0) -> dict:
    key = jax.random.key(seed)
    k_x, k_t, k_w1, k_b1, k_w2, k_b2 = jax.random.split(key, 6)
    x = jax.random.randint(k_x, (BATCH, MAXLEN), 0, VOCAB, dtype=jnp.int64 if jax.config.jax_enable_x64 else jnp.int32)
    table = jax.random.normal(k_t, (VOCAB, EMBED), dtype=jnp.float32) * 0.05
    W1 = jax.random.normal(k_w1, (EMBED, 160), dtype=jnp.float32) * 0.05
    b1 = jnp.zeros((160,), dtype=jnp.float32)
    W2 = jax.random.normal(k_w2, (160, 1), dtype=jnp.float32) * 0.05
    b2 = jnp.zeros((1,), dtype=jnp.float32)
    return {"x": x, "table": table, "W1": W1, "b1": b1, "W2": W2, "b2": b2}

def reference(x, table, W1, b1, W2, b2):
    # Embedding lookup: [B, L] -> [B, L, E]
    emb = jnp.take(table, x, axis=0)
    # GlobalAveragePooling1D over the sequence axis
    pooled = jnp.mean(emb, axis=1)
    # Dense(160, relu)
    h = jax.nn.relu(pooled @ W1 + b1)
    # Dense(1, softmax) -- softmax over last axis of size 1, as in the Keras code
    out = jax.nn.softmax(h @ W2 + b2, axis=-1)
    return out

if __name__ == "__main__":
    import jax
    _d = setup_inputs()
    print(jax.jit(kernel)(*tuple(_d.values())))

</pallas_src>

<mosaic_0001>
#map = affine_map<(d0, d1) -> (0, 0, 0)>
#map1 = affine_map<(d0, d1) -> (0, 0)>
module attributes {stable_mosaic.version = 14 : i64} {
  func.func @k(%arg0: i32, %arg1: i32, %arg2: memref<4096x4x128xi32, #tpu.memory_space<hbm>>, %arg3: memref<10016x128xf32, #tpu.memory_space<hbm>>, %arg4: memref<4096x128xf32, #tpu.memory_space<hbm>>, %arg5: memref<4x128xi32, #tpu.memory_space<vmem>>, %arg6: memref<2x128x128xf32, #tpu.memory_space<vmem>>, %arg7: memref<128xf32, #tpu.memory_space<vmem>>, %arg8: memref<!tpu.dma_semaphore, #tpu.memory_space<semaphore_mem>>, %arg9: memref<!tpu.dma_semaphore, #tpu.memory_space<semaphore_mem>>) attributes {dimension_semantics = [#tpu.dimension_semantics<core_parallel>, #tpu.dimension_semantics<subcore_parallel>], iteration_bounds = array<i64: 2, 16>, scalar_prefetch = 0 : i64, scratch_operands = 5 : i64, tpu.core_type = #tpu.core_type<sc_vector_subcore>, window_params = [{transform_indices = #map}, {transform_indices = #map1}, {transform_indices = #map1}]} {
    %mul3A = arith.constant 2 : i32
    %mul3A_0 = arith.muli %arg1, %mul3A : i32
    %add3A = arith.addi %mul3A_0, %arg0 : i32
    %mul3A_1 = arith.constant 128 : i32
    %mul3A_2 = arith.muli %add3A, %mul3A_1 : i32
    %scan3A = arith.constant 0 : i32
    %scan3A_3 = arith.constant 0 : i32
    %scan3A_4 = arith.constant 128 : i32
    %scan3A_5 = arith.addi %scan3A_3, %scan3A_4 : i32
    %scan3A_6 = arith.constant 1 : i32
    %scan3A_7 = scf.for %scan3A_9 = %scan3A_3 to %scan3A_5 step %scan3A_6 iter_args(%scan3A_10 = %scan3A) -> (i32)  : i32 {
      %add3A_11 = arith.addi %mul3A_2, %scan3A_9 : i32
      "tpu.region"() ({
        %run_scoped3A = tpu.sem_alloc : memref<!tpu.dma_semaphore, #tpu.memory_space<semaphore_mem>>
        %dma_start3A_177 = arith.constant 0 : i32
        %dma_start3A_178 = arith.constant 0 : i32
        %dma_start3A_179 = tpu.memref_slice %arg2[%add3A_11, %dma_start3A_177, %dma_start3A_178] : memref<4096x4x128xi32, #tpu.memory_space<hbm>> -> memref<1x4x128xi32, #tpu.memory_space<hbm>>
        %dma_start3A_180 = tpu.memref_squeeze %dma_start3A_179 : memref<1x4x128xi32, #tpu.memory_space<hbm>> -> memref<4x128xi32, #tpu.memory_space<hbm>>
        %dma_start3A_181 = arith.constant 0 : i32
        %dma_start3A_182 = arith.constant 0 : i32
        %dma_start3A_183 = tpu.memref_slice %arg2[%add3A_11, %dma_start3A_181, %dma_start3A_182] : memref<4096x4x128xi32, #tpu.memory_space<hbm>> -> memref<1x4x128xi32, #tpu.memory_space<hbm>>
        %dma_start3A_184 = tpu.memref_squeeze %dma_start3A_183 : memref<1x4x128xi32, #tpu.memory_space<hbm>> -> memref<4x128xi32, #tpu.memory_space<hbm>>
        tpu.enqueue_dma source(%dma_start3A_184 : memref<4x128xi32, #tpu.memory_space<hbm>>) target(%arg5 : memref<4x128xi32, #tpu.memory_space<vmem>>) target_semaphore(%run_scoped3A : memref<!tpu.dma_semaphore, #tpu.memory_space<semaphore_mem>>)
        %dma_wait3A_185 = arith.constant 0 : i32
        %dma_wait3A_186 = arith.constant 0 : i32
        %dma_wait3A_187 = tpu.memref_slice %arg2[%add3A_11, %dma_wait3A_185, %dma_wait3A_186] : memref<4096x4x128xi32, #tpu.memory_space<hbm>> -> memref<1x4x128xi32, #tpu.memory_space<hbm>>
        %dma_wait3A_188 = tpu.memref_squeeze %dma_wait3A_187 : memref<1x4x128xi32, #tpu.memory_space<hbm>> -> memref<4x128xi32, #tpu.memory_space<hbm>>
        %dma_wait3A_189 = arith.constant 0 : i32
        %dma_wait3A_190 = arith.constant 0 : i32
        %dma_wait3A_191 = tpu.memref_slice %arg2[%add3A_11, %dma_wait3A_189, %dma_wait3A_190] : memref<4096x4x128xi32, #tpu.memory_space<hbm>> -> memref<1x4x128xi32, #tpu.memory_space<hbm>>
        %dma_wait3A_192 = tpu.memref_squeeze %dma_wait3A_191 : memref<1x4x128xi32, #tpu.memory_space<hbm>> -> memref<4x128xi32, #tpu.memory_space<hbm>>
        tpu.wait_dma2 semaphore(%run_scoped3A : memref<!tpu.dma_semaphore, #tpu.memory_space<semaphore_mem>>) src(%dma_wait3A_192 : memref<4x128xi32, #tpu.memory_space<hbm>>) dst(%arg5 : memref<4x128xi32, #tpu.memory_space<vmem>>)
        tpu.yield
      }) : () -> ()
      %dma_start3A = arith.constant 0 : i32
      %dma_start3A_12 = arith.constant 0 : i32
      %dma_start3A_13 = arith.constant 0 : i32
      %dma_start3A_14 = arith.constant 0 : i32
      %dma_start3A_15 = tpu.memref_slice %arg6[%dma_start3A_12, %dma_start3A_13, %dma_start3A_14] : memref<2x128x128xf32, #tpu.memory_space<vmem>> -> memref<1x128x128xf32, #tpu.memory_space<vmem>>
      %dma_start3A_16 = tpu.memref_squeeze %dma_start3A_15 : memref<1x128x128xf32, #tpu.memory_space<vmem>> -> memref<128x128xf32, #tpu.memory_space<vmem>>
      %dma_start3A_17 = arith.constant 0 : i32
      %dma_start3A_18 = tpu.memref_slice %arg5[%dma_start3A, %dma_start3A_17] : memref<4x128xi32, #tpu.memory_space<vmem>> -> memref<1x128xi32, #tpu.memory_space<vmem>>
      %dma_start3A_19 = tpu.memref_squeeze %dma_start3A_18 : memref<1x128xi32, #tpu.memory_space<vmem>> -> memref<128xi32, #tpu.memory_space<vmem>>
      %dma_start3A_20 = arith.constant 0 : i32
      %dma_start3A_21 = arith.constant 0 : i32
      %dma_start3A_22 = tpu.memref_slice %arg3[%dma_start3A_20, %dma_start3A_21] : memref<10016x128xf32, #tpu.memory_space<hbm>> -> memref<10016x128xf32, #tpu.memory_space<hbm>>
      tpu.enqueue_indirect_dma source(%dma_start3A_22 : memref<10016x128xf32, #tpu.memory_space<hbm>>) target(%dma_start3A_16 : memref<128x128xf32, #tpu.memory_space<vmem>>) offsets(%dma_start3A_19 : memref<128xi32, #tpu.memory_space<vmem>>) semaphore(%arg8 : memref<!tpu.dma_semaphore, #tpu.memory_space<semaphore_mem>>)
      %broadcast_in_dim3A = arith.constant 0.000000e+00 : f32
      %broadcast_in_dim3A_23 = vector.broadcast %broadcast_in_dim3A : f32 to vector<16xf32>
      %broadcast_in_dim3A_24 = arith.constant 0.000000e+00 : f32
      %broadcast_in_dim3A_25 = vector.broadcast %broadcast_in_dim3A_24 : f32 to vector<16xf32>
      %broadcast_in_dim3A_26 = arith.constant 0.000000e+00 : f32
      %broadcast_in_dim3A_27 = vector.broadcast %broadcast_in_dim3A_26 : f32 to vector<16xf32>
      %broadcast_in_dim3A_28 = arith.constant 0.000000e+00 : f32
      %broadcast_in_dim3A_29 = vector.broadcast %broadcast_in_dim3A_28 : f32 to vector<16xf32>
      %broadcast_in_dim3A_30 = arith.constant 0.000000e+00 : f32
      %broadcast_in_dim3A_31 = vector.broadcast %broadcast_in_dim3A_30 : f32 to vector<16xf32>
      %broadcast_in_dim3A_32 = arith.constant 0.000000e+00 : f32
      %broadcast_in_dim3A_33 = vector.broadcast %broadcast_in_dim3A_32 : f32 to vector<16xf32>
      %broadcast_in_dim3A_34 = arith.constant 0.000000e+00 : f32
      %broadcast_in_dim3A_35 = vector.broadcast %broadcast_in_dim3A_34 : f32 to vector<16xf32>
      %broadcast_in_dim3A_36 = arith.constant 0.000000e+00 : f32
      %broadcast_in_dim3A_37 = vector.broadcast %broadcast_in_dim3A_36 : f32 to vector<16xf32>
      %dma_start3A_38 = arith.constant 1 : i32
      %dma_start3A_39 = arith.constant 1 : i32
      %dma_start3A_40 = arith.constant 0 : i32
      %dma_start3A_41 = arith.constant 0 : i32
      %dma_start3A_42 = tpu.memref_slice %arg6[%dma_start3A_39, %dma_start3A_40, %dma_start3A_41] : memref<2x128x128xf32, #tpu.memory_space<vmem>> -> memref<1x128x128xf32, #tpu.memory_space<vmem>>
      %dma_start3A_43 = tpu.memref_squeeze %dma_start3A_42 : memref<1x128x128xf32, #tpu.memory_space<vmem>> -> memref<128x128xf32, #tpu.memory_space<vmem>>
      %dma_start3A_44 = arith.constant 0 : i32
      %dma_start3A_45 = tpu.memref_slice %arg5[%dma_start3A_38, %dma_start3A_44] : memref<4x128xi32, #tpu.memory_space<vmem>> -> memref<1x128xi32, #tpu.memory_space<vmem>>
      %dma_start3A_46 = tpu.memref_squeeze %dma_start3A_45 : memref<1x128xi32, #tpu.memory_space<vmem>> -> memref<128xi32, #tpu.memory_space<vmem>>
      %dma_start3A_47 = arith.constant 0 : i32
      %dma_start3A_48 = arith.constant 0 : i32
      %dma_start3A_49 = tpu.memref_slice %arg3[%dma_start3A_47, %dma_start3A_48] : memref<10016x128xf32, #tpu.memory_space<hbm>> -> memref<10016x128xf32, #tpu.memory_space<hbm>>
      tpu.enqueue_indirect_dma source(%dma_start3A_49 : memref<10016x128xf32, #tpu.memory_space<hbm>>) target(%dma_start3A_43 : memref<128x128xf32, #tpu.memory_space<vmem>>) offsets(%dma_start3A_46 : memref<128xi32, #tpu.memory_space<vmem>>) semaphore(%arg9 : memref<!tpu.dma_semaphore, #tpu.memory_space<semaphore_mem>>)
      %dma_wait3A = arith.constant 0 : i32
      %dma_wait3A_50 = arith.constant 0 : i32
      %dma_wait3A_51 = arith.constant 0 : i32
      %dma_wait3A_52 = arith.constant 0 : i32
      %dma_wait3A_53 = tpu.memref_slice %arg6[%dma_wait3A_50, %dma_wait3A_51, %dma_wait3A_52] : memref<2x128x128xf32, #tpu.memory_space<vmem>> -> memref<1x128x128xf32, #tpu.memory_space<vmem>>
      %dma_wait3A_54 = tpu.memref_squeeze %dma_wait3A_53 : memref<1x128x128xf32, #tpu.memory_space<vmem>> -> memref<128x128xf32, #tpu.memory_space<vmem>>
      %dma_wait3A_55 = arith.constant 0 : i32
      %dma_wait3A_56 = tpu.memref_slice %arg5[%dma_wait3A, %dma_wait3A_55] : memref<4x128xi32, #tpu.memory_space<vmem>> -> memref<1x128xi32, #tpu.memory_space<vmem>>
      %dma_wait3A_57 = tpu.memref_squeeze %dma_wait3A_56 : memref<1x128xi32, #tpu.memory_space<vmem>> -> memref<128xi32, #tpu.memory_space<vmem>>
      %dma_wait3A_58 = arith.constant 0 : i32
      %dma_wait3A_59 = arith.constant 0 : i32
      %dma_wait3A_60 = tpu.memref_slice %arg3[%dma_wait3A_58, %dma_wait3A_59] : memref<10016x128xf32, #tpu.memory_space<hbm>> -> memref<10016x128xf32, #tpu.memory_space<hbm>>
      tpu.wait_indirect_dma semaphore(%arg8 : memref<!tpu.dma_semaphore, #tpu.memory_space<semaphore_mem>>) src(%dma_wait3A_60 : memref<10016x128xf32, #tpu.memory_space<hbm>>) dst(%dma_wait3A_54 : memref<128x128xf32, #tpu.memory_space<vmem>>)
      %scan3A_61 = arith.constant 0 : i32
      %scan3A_62 = arith.constant 128 : i32
      %scan3A_63 = arith.addi %scan3A_61, %scan3A_62 : i32
      %scan3A_64 = arith.constant 1 : i32
      %scan3A_65:8 = scf.for %scan3A_177 = %scan3A_61 to %scan3A_63 step %scan3A_64 iter_args(%scan3A_178 = %broadcast_in_dim3A_23, %scan3A_179 = %broadcast_in_dim3A_25, %scan3A_180 = %broadcast_in_dim3A_27, %scan3A_181 = %broadcast_in_dim3A_29, %scan3A_182 = %broadcast_in_dim3A_31, %scan3A_183 = %broadcast_in_dim3A_33, %scan3A_184 = %broadcast_in_dim3A_35, %scan3A_185 = %broadcast_in_dim3A_37) -> (vector<16xf32>, vector<16xf32>, vector<16xf32>, vector<16xf32>, vector<16xf32>, vector<16xf32>, vector<16xf32>, vector<16xf32>)  : i32 {
        %get3A = arith.constant 0 : i32
        %get3A_186 = arith.index_cast %get3A : i32 to index
        %get3A_187 = arith.index_cast %scan3A_177 : i32 to index
        %get3A_188 = arith.constant 0 : index
        %get3A_189 = tpu.vector_load %arg6[%get3A_186, %get3A_187, %get3A_188] {strides = array<i32>} : memref<2x128x128xf32, #tpu.memory_space<vmem>>, vector<1x1x16xf32>,
        %get3A_190 = vector.shape_cast %get3A_189 : vector<1x1x16xf32> to vector<16xf32>
        %add3A_191 = arith.addf %scan3A_178, %get3A_190 : vector<16xf32>
        %get3A_192 = arith.constant 0 : i32
        %get3A_193 = arith.index_cast %get3A_192 : i32 to index
        %get3A_194 = arith.index_cast %scan3A_177 : i32 to index
        %get3A_195 = arith.constant 16 : index
        %get3A_196 = tpu.vector_load %arg6[%get3A_193, %get3A_194, %get3A_195] {strides = array<i32>} : memref<2x128x128xf32, #tpu.memory_space<vmem>>, vector<1x1x16xf32>,
        %get3A_197 = vector.shape_cast %get3A_196 : vector<1x1x16xf32> to vector<16xf32>
        %add3A_198 = arith.addf %scan3A_179, %get3A_197 : vector<16xf32>
        %get3A_199 = arith.constant 0 : i32
        %get3A_200 = arith.index_cast %get3A_199 : i32 to index
        %get3A_201 = arith.index_cast %scan3A_177 : i32 to index
        %get3A_202 = arith.constant 32 : index
        %get3A_203 = tpu.vector_load %arg6[%get3A_200, %get3A_201, %get3A_202] {strides = array<i32>} : memref<2x128x128xf32, #tpu.memory_space<vmem>>, vector<1x1x16xf32>,
        %get3A_204 = vector.shape_cast %get3A_203 : vector<1x1x16xf32> to vector<16xf32>
        %add3A_205 = arith.addf %scan3A_180, %get3A_204 : vector<16xf32>
        %get3A_206 = arith.constant 0 : i32
        %get3A_207 = arith.index_cast %get3A_206 : i32 to index
        %get3A_208 = arith.index_cast %scan3A_177 : i32 to index
        %get3A_209 = arith.constant 48 : index
        %get3A_210 = tpu.vector_load %arg6[%get3A_207, %get3A_208, %get3A_209] {strides = array<i32>} : memref<2x128x128xf32, #tpu.memory_space<vmem>>, vector<1x1x16xf32>,
        %get3A_211 = vector.shape_cast %get3A_210 : vector<1x1x16xf32> to vector<16xf32>
        %add3A_212 = arith.addf %scan3A_181, %get3A_211 : vector<16xf32>
        %get3A_213 = arith.constant 0 : i32
        %get3A_214 = arith.index_cast %get3A_213 : i32 to index
        %get3A_215 = arith.index_cast %scan3A_177 : i32 to index
        %get3A_216 = arith.constant 64 : index
        %get3A_217 = tpu.vector_load %arg6[%get3A_214, %get3A_215, %get3A_216] {strides = array<i32>} : memref<2x128x128xf32, #tpu.memory_space<vmem>>, vector<1x1x16xf32>,
        %get3A_218 = vector.shape_cast %get3A_217 : vector<1x1x16xf32> to vector<16xf32>
        %add3A_219 = arith.addf %scan3A_182, %get3A_218 : vector<16xf32>
        %get3A_220 = arith.constant 0 : i32
        %get3A_221 = arith.index_cast %get3A_220 : i32 to index
        %get3A_222 = arith.index_cast %scan3A_177 : i32 to index
        %get3A_223 = arith.constant 80 : index
        %get3A_224 = tpu.vector_load %arg6[%get3A_221, %get3A_222, %get3A_223] {strides = array<i32>} : memref<2x128x128xf32, #tpu.memory_space<vmem>>, vector<1x1x16xf32>,
        %get3A_225 = vector.shape_cast %get3A_224 : vector<1x1x16xf32> to vector<16xf32>
        %add3A_226 = arith.addf %scan3A_183, %get3A_225 : vector<16xf32>
        %get3A_227 = arith.constant 0 : i32
        %get3A_228 = arith.index_cast %get3A_227 : i32 to index
        %get3A_229 = arith.index_cast %scan3A_177 : i32 to index
        %get3A_230 = arith.constant 96 : index
        %get3A_231 = tpu.vector_load %arg6[%get3A_228, %get3A_229, %get3A_230] {strides = array<i32>} : memref<2x128x128xf32, #tpu.memory_space<vmem>>, vector<1x1x16xf32>,
        %get3A_232 = vector.shape_cast %get3A_231 : vector<1x1x16xf32> to vector<16xf32>
        %add3A_233 = arith.addf %scan3A_184, %get3A_232 : vector<16xf32>
        %get3A_234 = arith.constant 0 : i32
        %get3A_235 = arith.index_cast %get3A_234 : i32 to index
        %get3A_236 = arith.index_cast %scan3A_177 : i32 to index
        %get3A_237 = arith.constant 112 : index
        %get3A_238 = tpu.vector_load %arg6[%get3A_235, %get3A_236, %get3A_237] {strides = array<i32>} : memref<2x128x128xf32, #tpu.memory_space<vmem>>, vector<1x1x16xf32>,
        %get3A_239 = vector.shape_cast %get3A_238 : vector<1x1x16xf32> to vector<16xf32>
        %add3A_240 = arith.addf %scan3A_185, %get3A_239 : vector<16xf32>
        scf.yield %add3A_191, %add3A_198, %add3A_205, %add3A_212, %add3A_219, %add3A_226, %add3A_233, %add3A_240 : vector<16xf32>, vector<16xf32>, vector<16xf32>, vector<16xf32>, vector<16xf32>, vector<16xf32>, vector<16xf32>, vector<16xf32>
      }
      %scan3A_66 = arith.constant 128 : i32
      %dma_start3A_67 = arith.constant 2 : i32
      %dma_start3A_68 = arith.constant 0 : i32
      %dma_start3A_69 = arith.constant 0 : i32
      %dma_start3A_70 = arith.constant 0 : i32
      %dma_start3A_71 = tpu.memref_slice %arg6[%dma_start3A_68, %dma_start3A_69, %dma_start3A_70] : memref<2x128x128xf32, #tpu.memory_space<vmem>> -> memref<1x128x128xf32, #tpu.memory_space<vmem>>
      %dma_start3A_72 = tpu.memref_squeeze %dma_start3A_71 : memref<1x128x128xf32, #tpu.memory_space<vmem>> -> memref<128x128xf32, #tpu.memory_space<vmem>>
      %dma_start3A_73 = arith.constant 0 : i32
      %dma_start3A_74 = tpu.memref_slice %arg5[%dma_start3A_67, %dma_start3A_73] : memref<4x128xi32, #tpu.memory_space<vmem>> -> memref<1x128xi32, #tpu.memory_space<vmem>>
      %dma_start3A_75 = tpu.memref_squeeze %dma_start3A_74 : memref<1x128xi32, #tpu.memory_space<vmem>> -> memref<128xi32, #tpu.memory_space<vmem>>
      %dma_start3A_76 = arith.constant 0 : i32
      %dma_start3A_77 = arith.constant 0 : i32
      %dma_start3A_78 = tpu.memref_slice %arg3[%dma_start3A_76, %dma_start3A_77] : memref<10016x128xf32, #tpu.memory_space<hbm>> -> memref<10016x128xf32, #tpu.memory_space<hbm>>
      tpu.enqueue_indirect_dma source(%dma_start3A_78 : memref<10016x128xf32, #tpu.memory_space<hbm>>) target(%dma_start3A_72 : memref<128x128xf32, #tpu.memory_space<vmem>>) offsets(%dma_start3A_75 : memref<128xi32, #tpu.memory_space<vmem>>) semaphore(%arg8 : memref<!tpu.dma_semaphore, #tpu.memory_space<semaphore_mem>>)
      %dma_wait3A_79 = arith.constant 1 : i32
      %dma_wait3A_80 = arith.constant 1 : i32
      %dma_wait3A_81 = arith.constant 0 : i32
      %dma_wait3A_82 = arith.constant 0 : i32
      %dma_wait3A_83 = tpu.memref_slice %arg6[%dma_wait3A_80, %dma_wait3A_81, %dma_wait3A_82] : memref<2x128x128xf32, #tpu.memory_space<vmem>> -> memref<1x128x128xf32, #tpu.memory_space<vmem>>
      %dma_wait3A_84 = tpu.memref_squeeze %dma_wait3A_83 : memref<1x128x128xf32, #tpu.memory_space<vmem>> -> memref<128x128xf32, #tpu.memory_space<vmem>>
      %dma_wait3A_85 = arith.constant 0 : i32
      %dma_wait3A_86 = tpu.memref_slice %arg5[%dma_wait3A_79, %dma_wait3A_85] : memref<4x128xi32, #tpu.memory_space<vmem>> -> memref<1x128xi32, #tpu.memory_space<vmem>>
      %dma_wait3A_87 = tpu.memref_squeeze %dma_wait3A_86 : memref<1x128xi32, #tpu.memory_space<vmem>> -> memref<128xi32, #tpu.memory_space<vmem>>
      %dma_wait3A_88 = arith.constant 0 : i32
      %dma_wait3A_89 = arith.constant 0 : i32
      %dma_wait3A_90 = tpu.memref_slice %arg3[%dma_wait3A_88, %dma_wait3A_89] : memref<10016x128xf32, #tpu.memory_space<hbm>> -> memref<10016x128xf32, #tpu.memory_space<hbm>>
      tpu.wait_indirect_dma semaphore(%arg9 : memref<!tpu.dma_semaphore, #tpu.memory_space<semaphore_mem>>) src(%dma_wait3A_90 : memref<10016x128xf32, #tpu.memory_space<hbm>>) dst(%dma_wait3A_84 : memref<128x128xf32, #tpu.memory_space<vmem>>)
      %scan3A_91 = arith.constant 0 : i32
      %scan3A_92 = arith.constant 128 : i32
      %scan3A_93 = arith.addi %scan3A_91, %scan3A_92 : i32
      %scan3A_94 = arith.constant 1 : i32
      %scan3A_95:8 = scf.for %scan3A_177 = %scan3A_91 to %scan3A_93 step %scan3A_94 iter_args(%scan3A_178 = %scan3A_65#0, %scan3A_179 = %scan3A_65#1, %scan3A_180 = %scan3A_65#2, %scan3A_181 = %scan3A_65#3, %scan3A_182 = %scan3A_65#4, %scan3A_183 = %scan3A_65#5, %scan3A_184 = %scan3A_65#6, %scan3A_185 = %scan3A_65#7) -> (vector<16xf32>, vector<16xf32>, vector<16xf32>, vector<16xf32>, vector<16xf32>, vector<16xf32>, vector<16xf32>, vector<16xf32>)  : i32 {
        %get3A = arith.constant 1 : i32
        %get3A_186 = arith.index_cast %get3A : i32 to index
        %get3A_187 = arith.index_cast %scan3A_177 : i32 to index
        %get3A_188 = arith.constant 0 : index
        %get3A_189 = tpu.vector_load %arg6[%get3A_186, %get3A_187, %get3A_188] {strides = array<i32>} : memref<2x128x128xf32, #tpu.memory_space<vmem>>, vector<1x1x16xf32>,
        %get3A_190 = vector.shape_cast %get3A_189 : vector<1x1x16xf32> to vector<16xf32>
        %add3A_191 = arith.addf %scan3A_178, %get3A_190 : vector<16xf32>
        %get3A_192 = arith.constant 1 : i32
        %get3A_193 = arith.index_cast %get3A_192 : i32 to index
        %get3A_194 = arith.index_cast %scan3A_177 : i32 to index
        %get3A_195 = arith.constant 16 : index
        %get3A_196 = tpu.vector_load %arg6[%get3A_193, %get3A_194, %get3A_195] {strides = array<i32>} : memref<2x128x128xf32, #tpu.memory_space<vmem>>, vector<1x1x16xf32>,
        %get3A_197 = vector.shape_cast %get3A_196 : vector<1x1x16xf32> to vector<16xf32>
        %add3A_198 = arith.addf %scan3A_179, %get3A_197 : vector<16xf32>
        %get3A_199 = arith.constant 1 : i32
        %get3A_200 = arith.index_cast %get3A_199 : i32 to index
        %get3A_201 = arith.index_cast %scan3A_177 : i32 to index
        %get3A_202 = arith.constant 32 : index
        %get3A_203 = tpu.vector_load %arg6[%get3A_200, %get3A_201, %get3A_202] {strides = array<i32>} : memref<2x128x128xf32, #tpu.memory_space<vmem>>, vector<1x1x16xf32>,
        %get3A_204 = vector.shape_cast %get3A_203 : vector<1x1x16xf32> to vector<16xf32>
        %add3A_205 = arith.addf %scan3A_180, %get3A_204 : vector<16xf32>
        %get3A_206 = arith.constant 1 : i32
        %get3A_207 = arith.index_cast %get3A_206 : i32 to index
        %get3A_208 = arith.index_cast %scan3A_177 : i32 to index
        %get3A_209 = arith.constant 48 : index
        %get3A_210 = tpu.vector_load %arg6[%get3A_207, %get3A_208, %get3A_209] {strides = array<i32>} : memref<2x128x128xf32, #tpu.memory_space<vmem>>, vector<1x1x16xf32>,
        %get3A_211 = vector.shape_cast %get3A_210 : vector<1x1x16xf32> to vector<16xf32>
        %add3A_212 = arith.addf %scan3A_181, %get3A_211 : vector<16xf32>
        %get3A_213 = arith.constant 1 : i32
        %get3A_214 = arith.index_cast %get3A_213 : i32 to index
        %get3A_215 = arith.index_cast %scan3A_177 : i32 to index
        %get3A_216 = arith.constant 64 : index
        %get3A_217 = tpu.vector_load %arg6[%get3A_214, %get3A_215, %get3A_216] {strides = array<i32>} : memref<2x128x128xf32, #tpu.memory_space<vmem>>, vector<1x1x16xf32>,
        %get3A_218 = vector.shape_cast %get3A_217 : vector<1x1x16xf32> to vector<16xf32>
        %add3A_219 = arith.addf %scan3A_182, %get3A_218 : vector<16xf32>
        %get3A_220 = arith.constant 1 : i32
        %get3A_221 = arith.index_cast %get3A_220 : i32 to index
        %get3A_222 = arith.index_cast %scan3A_177 : i32 to index
        %get3A_223 = arith.constant 80 : index
        %get3A_224 = tpu.vector_load %arg6[%get3A_221, %get3A_222, %get3A_223] {strides = array<i32>} : memref<2x128x128xf32, #tpu.memory_space<vmem>>, vector<1x1x16xf32>,
        %get3A_225 = vector.shape_cast %get3A_224 : vector<1x1x16xf32> to vector<16xf32>
        %add3A_226 = arith.addf %scan3A_183, %get3A_225 : vector<16xf32>
        %get3A_227 = arith.constant 1 : i32
        %get3A_228 = arith.index_cast %get3A_227 : i32 to index
        %get3A_229 = arith.index_cast %scan3A_177 : i32 to index
        %get3A_230 = arith.constant 96 : index
        %get3A_231 = tpu.vector_load %arg6[%get3A_228, %get3A_229, %get3A_230] {strides = array<i32>} : memref<2x128x128xf32, #tpu.memory_space<vmem>>, vector<1x1x16xf32>,
        %get3A_232 = vector.shape_cast %get3A_231 : vector<1x1x16xf32> to vector<16xf32>
        %add3A_233 = arith.addf %scan3A_184, %get3A_232 : vector<16xf32>
        %get3A_234 = arith.constant 1 : i32
        %get3A_235 = arith.index_cast %get3A_234 : i32 to index
        %get3A_236 = arith.index_cast %scan3A_177 : i32 to index
        %get3A_237 = arith.constant 112 : index
        %get3A_238 = tpu.vector_load %arg6[%get3A_235, %get3A_236, %get3A_237] {strides = array<i32>} : memref<2x128x128xf32, #tpu.memory_space<vmem>>, vector<1x1x16xf32>,
        %get3A_239 = vector.shape_cast %get3A_238 : vector<1x1x16xf32> to vector<16xf32>
        %add3A_240 = arith.addf %scan3A_185, %get3A_239 : vector<16xf32>
        scf.yield %add3A_191, %add3A_198, %add3A_205, %add3A_212, %add3A_219, %add3A_226, %add3A_233, %add3A_240 : vector<16xf32>, vector<16xf32>, vector<16xf32>, vector<16xf32>, vector<16xf32>, vector<16xf32>, vector<16xf32>, vector<16xf32>
      }
      %scan3A_96 = arith.constant 128 : i32
      %dma_start3A_97 = arith.constant 3 : i32
      %dma_start3A_98 = arith.constant 1 : i32
      %dma_start3A_99 = arith.constant 0 : i32
      %dma_start3A_100 = arith.constant 0 : i32
      %dma_start3A_101 = tpu.memref_slice %arg6[%dma_start3A_98, %dma_start3A_99, %dma_start3A_100] : memref<2x128x128xf32, #tpu.memory_space<vmem>> -> memref<1x128x128xf32, #tpu.memory_space<vmem>>
      %dma_start3A_102 = tpu.memref_squeeze %dma_start3A_101 : memref<1x128x128xf32, #tpu.memory_space<vmem>> -> memref<128x128xf32, #tpu.memory_space<vmem>>
      %dma_start3A_103 = arith.constant 0 : i32
      %dma_start3A_104 = tpu.memref_slice %arg5[%dma_start3A_97, %dma_start3A_103] : memref<4x128xi32, #tpu.memory_space<vmem>> -> memref<1x128xi32, #tpu.memory_space<vmem>>
      %dma_start3A_105 = tpu.memref_squeeze %dma_start3A_104 : memref<1x128xi32, #tpu.memory_space<vmem>> -> memref<128xi32, #tpu.memory_space<vmem>>
      %dma_start3A_106 = arith.constant 0 : i32
      %dma_start3A_107 = arith.constant 0 : i32
      %dma_start3A_108 = tpu.memref_slice %arg3[%dma_start3A_106, %dma_start3A_107] : memref<10016x128xf32, #tpu.memory_space<hbm>> -> memref<10016x128xf32, #tpu.memory_space<hbm>>
      tpu.enqueue_indirect_dma source(%dma_start3A_108 : memref<10016x128xf32, #tpu.memory_space<hbm>>) target(%dma_start3A_102 : memref<128x128xf32, #tpu.memory_space<vmem>>) offsets(%dma_start3A_105 : memref<128xi32, #tpu.memory_space<vmem>>) semaphore(%arg9 : memref<!tpu.dma_semaphore, #tpu.memory_space<semaphore_mem>>)
      %dma_wait3A_109 = arith.constant 2 : i32
      %dma_wait3A_110 = arith.constant 0 : i32
      %dma_wait3A_111 = arith.constant 0 : i32
      %dma_wait3A_112 = arith.constant 0 : i32
      %dma_wait3A_113 = tpu.memref_slice %arg6[%dma_wait3A_110, %dma_wait3A_111, %dma_wait3A_112] : memref<2x128x128xf32, #tpu.memory_space<vmem>> -> memref<1x128x128xf32, #tpu.memory_space<vmem>>
      %dma_wait3A_114 = tpu.memref_squeeze %dma_wait3A_113 : memref<1x128x128xf32, #tpu.memory_space<vmem>> -> memref<128x128xf32, #tpu.memory_space<vmem>>
      %dma_wait3A_115 = arith.constant 0 : i32
      %dma_wait3A_116 = tpu.memref_slice %arg5[%dma_wait3A_109, %dma_wait3A_115] : memref<4x128xi32, #tpu.memory_space<vmem>> -> memref<1x128xi32, #tpu.memory_space<vmem>>
      %dma_wait3A_117 = tpu.memref_squeeze %dma_wait3A_116 : memref<1x128xi32, #tpu.memory_space<vmem>> -> memref<128xi32, #tpu.memory_space<vmem>>
      %dma_wait3A_118 = arith.constant 0 : i32
      %dma_wait3A_119 = arith.constant 0 : i32
      %dma_wait3A_120 = tpu.memref_slice %arg3[%dma_wait3A_118, %dma_wait3A_119] : memref<10016x128xf32, #tpu.memory_space<hbm>> -> memref<10016x128xf32, #tpu.memory_space<hbm>>
      tpu.wait_indirect_dma semaphore(%arg8 : memref<!tpu.dma_semaphore, #tpu.memory_space<semaphore_mem>>) src(%dma_wait3A_120 : memref<10016x128xf32, #tpu.memory_space<hbm>>) dst(%dma_wait3A_114 : memref<128x128xf32, #tpu.memory_space<vmem>>)
      %scan3A_121 = arith.constant 0 : i32
      %scan3A_122 = arith.constant 128 : i32
      %scan3A_123 = arith.addi %scan3A_121, %scan3A_122 : i32
      %scan3A_124 = arith.constant 1 : i32
      %scan3A_125:8 = scf.for %scan3A_177 = %scan3A_121 to %scan3A_123 step %scan3A_124 iter_args(%scan3A_178 = %scan3A_95#0, %scan3A_179 = %scan3A_95#1, %scan3A_180 = %scan3A_95#2, %scan3A_181 = %scan3A_95#3, %scan3A_182 = %scan3A_95#4, %scan3A_183 = %scan3A_95#5, %scan3A_184 = %scan3A_95#6, %scan3A_185 = %scan3A_95#7) -> (vector<16xf32>, vector<16xf32>, vector<16xf32>, vector<16xf32>, vector<16xf32>, vector<16xf32>, vector<16xf32>, vector<16xf32>)  : i32 {
        %get3A = arith.constant 0 : i32
        %get3A_186 = arith.index_cast %get3A : i32 to index
        %get3A_187 = arith.index_cast %scan3A_177 : i32 to index
        %get3A_188 = arith.constant 0 : index
        %get3A_189 = tpu.vector_load %arg6[%get3A_186, %get3A_187, %get3A_188] {strides = array<i32>} : memref<2x128x128xf32, #tpu.memory_space<vmem>>, vector<1x1x16xf32>,
        %get3A_190 = vector.shape_cast %get3A_189 : vector<1x1x16xf32> to vector<16xf32>
        %add3A_191 = arith.addf %scan3A_178, %get3A_190 : vector<16xf32>
        %get3A_192 = arith.constant 0 : i32
        %get3A_193 = arith.index_cast %get3A_192 : i32 to index
        %get3A_194 = arith.index_cast %scan3A_177 : i32 to index
        %get3A_195 = arith.constant 16 : index
        %get3A_196 = tpu.vector_load %arg6[%get3A_193, %get3A_194, %get3A_195] {strides = array<i32>} : memref<2x128x128xf32, #tpu.memory_space<vmem>>, vector<1x1x16xf32>,
        %get3A_197 = vector.shape_cast %get3A_196 : vector<1x1x16xf32> to vector<16xf32>
        %add3A_198 = arith.addf %scan3A_179, %get3A_197 : vector<16xf32>
        %get3A_199 = arith.constant 0 : i32
        %get3A_200 = arith.index_cast %get3A_199 : i32 to index
        %get3A_201 = arith.index_cast %scan3A_177 : i32 to index
        %get3A_202 = arith.constant 32 : index
        %get3A_203 = tpu.vector_load %arg6[%get3A_200, %get3A_201, %get3A_202] {strides = array<i32>} : memref<2x128x128xf32, #tpu.memory_space<vmem>>, vector<1x1x16xf32>,
        %get3A_204 = vector.shape_cast %get3A_203 : vector<1x1x16xf32> to vector<16xf32>
        %add3A_205 = arith.addf %scan3A_180, %get3A_204 : vector<16xf32>
        %get3A_206 = arith.constant 0 : i32
        %get3A_207 = arith.index_cast %get3A_206 : i32 to index
        %get3A_208 = arith.index_cast %scan3A_177 : i32 to index
        %get3A_209 = arith.constant 48 : index
        %get3A_210 = tpu.vector_load %arg6[%get3A_207, %get3A_208, %get3A_209] {strides = array<i32>} : memref<2x128x128xf32, #tpu.memory_space<vmem>>, vector<1x1x16xf32>,
        %get3A_211 = vector.shape_cast %get3A_210 : vector<1x1x16xf32> to vector<16xf32>
        %add3A_212 = arith.addf %scan3A_181, %get3A_211 : vector<16xf32>
        %get3A_213 = arith.constant 0 : i32
        %get3A_214 = arith.index_cast %get3A_213 : i32 to index
        %get3A_215 = arith.index_cast %scan3A_177 : i32 to index
        %get3A_216 = arith.constant 64 : index
        %get3A_217 = tpu.vector_load %arg6[%get3A_214, %get3A_215, %get3A_216] {strides = array<i32>} : memref<2x128x128xf32, #tpu.memory_space<vmem>>, vector<1x1x16xf32>,
        %get3A_218 = vector.shape_cast %get3A_217 : vector<1x1x16xf32> to vector<16xf32>
        %add3A_219 = arith.addf %scan3A_182, %get3A_218 : vector<16xf32>
        %get3A_220 = arith.constant 0 : i32
        %get3A_221 = arith.index_cast %get3A_220 : i32 to index
        %get3A_222 = arith.index_cast %scan3A_177 : i32 to index
        %get3A_223 = arith.constant 80 : index
        %get3A_224 = tpu.vector_load %arg6[%get3A_221, %get3A_222, %get3A_223] {strides = array<i32>} : memref<2x128x128xf32, #tpu.memory_space<vmem>>, vector<1x1x16xf32>,
        %get3A_225 = vector.shape_cast %get3A_224 : vector<1x1x16xf32> to vector<16xf32>
        %add3A_226 = arith.addf %scan3A_183, %get3A_225 : vector<16xf32>
        %get3A_227 = arith.constant 0 : i32
        %get3A_228 = arith.index_cast %get3A_227 : i32 to index
        %get3A_229 = arith.index_cast %scan3A_177 : i32 to index
        %get3A_230 = arith.constant 96 : index
        %get3A_231 = tpu.vector_load %arg6[%get3A_228, %get3A_229, %get3A_230] {strides = array<i32>} : memref<2x128x128xf32, #tpu.memory_space<vmem>>, vector<1x1x16xf32>,
        %get3A_232 = vector.shape_cast %get3A_231 : vector<1x1x16xf32> to vector<16xf32>
        %add3A_233 = arith.addf %scan3A_184, %get3A_232 : vector<16xf32>
        %get3A_234 = arith.constant 0 : i32
        %get3A_235 = arith.index_cast %get3A_234 : i32 to index
        %get3A_236 = arith.index_cast %scan3A_177 : i32 to index
        %get3A_237 = arith.constant 112 : index
        %get3A_238 = tpu.vector_load %arg6[%get3A_235, %get3A_236, %get3A_237] {strides = array<i32>} : memref<2x128x128xf32, #tpu.memory_space<vmem>>, vector<1x1x16xf32>,
        %get3A_239 = vector.shape_cast %get3A_238 : vector<1x1x16xf32> to vector<16xf32>
        %add3A_240 = arith.addf %scan3A_185, %get3A_239 : vector<16xf32>
        scf.yield %add3A_191, %add3A_198, %add3A_205, %add3A_212, %add3A_219, %add3A_226, %add3A_233, %add3A_240 : vector<16xf32>, vector<16xf32>, vector<16xf32>, vector<16xf32>, vector<16xf32>, vector<16xf32>, vector<16xf32>, vector<16xf32>
      }
      %scan3A_126 = arith.constant 128 : i32
      %dma_wait3A_127 = arith.constant 3 : i32
      %dma_wait3A_128 = arith.constant 1 : i32
      %dma_wait3A_129 = arith.constant 0 : i32
      %dma_wait3A_130 = arith.constant 0 : i32
      %dma_wait3A_131 = tpu.memref_slice %arg6[%dma_wait3A_128, %dma_wait3A_129, %dma_wait3A_130] : memref<2x128x128xf32, #tpu.memory_space<vmem>> -> memref<1x128x128xf32, #tpu.memory_space<vmem>>
      %dma_wait3A_132 = tpu.memref_squeeze %dma_wait3A_131 : memref<1x128x128xf32, #tpu.memory_space<vmem>> -> memref<128x128xf32, #tpu.memory_space<vmem>>
      %dma_wait3A_133 = arith.constant 0 : i32
      %dma_wait3A_134 = tpu.memref_slice %arg5[%dma_wait3A_127, %dma_wait3A_133] : memref<4x128xi32, #tpu.memory_space<vmem>> -> memref<1x128xi32, #tpu.memory_space<vmem>>
      %dma_wait3A_135 = tpu.memref_squeeze %dma_wait3A_134 : memref<1x128xi32, #tpu.memory_space<vmem>> -> memref<128xi32, #tpu.memory_space<vmem>>
      %dma_wait3A_136 = arith.constant 0 : i32
      %dma_wait3A_137 = arith.constant 0 : i32
      %dma_wait3A_138 = tpu.memref_slice %arg3[%dma_wait3A_136, %dma_wait3A_137] : memref<10016x128xf32, #tpu.memory_space<hbm>> -> memref<10016x128xf32, #tpu.memory_space<hbm>>
      tpu.wait_indirect_dma semaphore(%arg9 : memref<!tpu.dma_semaphore, #tpu.memory_space<semaphore_mem>>) src(%dma_wait3A_138 : memref<10016x128xf32, #tpu.memory_space<hbm>>) dst(%dma_wait3A_132 : memref<128x128xf32, #tpu.memory_space<vmem>>)
      %scan3A_139 = arith.constant 0 : i32
      %scan3A_140 = arith.constant 128 : i32
      %scan3A_141 = arith.addi %scan3A_139, %scan3A_140 : i32
      %scan3A_142 = arith.constant 1 : i32
      %scan3A_143:8 = scf.for %scan3A_177 = %scan3A_139 to %scan3A_141 step %scan3A_142 iter_args(%scan3A_178 = %scan3A_125#0, %scan3A_179 = %scan3A_125#1, %scan3A_180 = %scan3A_125#2, %scan3A_181 = %scan3A_125#3, %scan3A_182 = %scan3A_125#4, %scan3A_183 = %scan3A_125#5, %scan3A_184 = %scan3A_125#6, %scan3A_185 = %scan3A_125#7) -> (vector<16xf32>, vector<16xf32>, vector<16xf32>, vector<16xf32>, vector<16xf32>, vector<16xf32>, vector<16xf32>, vector<16xf32>)  : i32 {
        %get3A = arith.constant 1 : i32
        %get3A_186 = arith.index_cast %get3A : i32 to index
        %get3A_187 = arith.index_cast %scan3A_177 : i32 to index
        %get3A_188 = arith.constant 0 : index
        %get3A_189 = tpu.vector_load %arg6[%get3A_186, %get3A_187, %get3A_188] {strides = array<i32>} : memref<2x128x128xf32, #tpu.memory_space<vmem>>, vector<1x1x16xf32>,
        %get3A_190 = vector.shape_cast %get3A_189 : vector<1x1x16xf32> to vector<16xf32>
        %add3A_191 = arith.addf %scan3A_178, %get3A_190 : vector<16xf32>
        %get3A_192 = arith.constant 1 : i32
        %get3A_193 = arith.index_cast %get3A_192 : i32 to index
        %get3A_194 = arith.index_cast %scan3A_177 : i32 to index
        %get3A_195 = arith.constant 16 : index
        %get3A_196 = tpu.vector_load %arg6[%get3A_193, %get3A_194, %get3A_195] {strides = array<i32>} : memref<2x128x128xf32, #tpu.memory_space<vmem>>, vector<1x1x16xf32>,
        %get3A_197 = vector.shape_cast %get3A_196 : vector<1x1x16xf32> to vector<16xf32>
        %add3A_198 = arith.addf %scan3A_179, %get3A_197 : vector<16xf32>
        %get3A_199 = arith.constant 1 : i32
        %get3A_200 = arith.index_cast %get3A_199 : i32 to index
        %get3A_201 = arith.index_cast %scan3A_177 : i32 to index
        %get3A_202 = arith.constant 32 : index
        %get3A_203 = tpu.vector_load %arg6[%get3A_200, %get3A_201, %get3A_202] {strides = array<i32>} : memref<2x128x128xf32, #tpu.memory_space<vmem>>, vector<1x1x16xf32>,
        %get3A_204 = vector.shape_cast %get3A_203 : vector<1x1x16xf32> to vector<16xf32>
        %add3A_205 = arith.addf %scan3A_180, %get3A_204 : vector<16xf32>
        %get3A_206 = arith.constant 1 : i32
        %get3A_207 = arith.index_cast %get3A_206 : i32 to index
        %get3A_208 = arith.index_cast %scan3A_177 : i32 to index
        %get3A_209 = arith.constant 48 : index
        %get3A_210 = tpu.vector_load %arg6[%get3A_207, %get3A_208, %get3A_209] {strides = array<i32>} : memref<2x128x128xf32, #tpu.memory_space<vmem>>, vector<1x1x16xf32>,
        %get3A_211 = vector.shape_cast %get3A_210 : vector<1x1x16xf32> to vector<16xf32>
        %add3A_212 = arith.addf %scan3A_181, %get3A_211 : vector<16xf32>
        %get3A_213 = arith.constant 1 : i32
        %get3A_214 = arith.index_cast %get3A_213 : i32 to index
        %get3A_215 = arith.index_cast %scan3A_177 : i32 to index
        %get3A_216 = arith.constant 64 : index
        %get3A_217 = tpu.vector_load %arg6[%get3A_214, %get3A_215, %get3A_216] {strides = array<i32>} : memref<2x128x128xf32, #tpu.memory_space<vmem>>, vector<1x1x16xf32>,
        %get3A_218 = vector.shape_cast %get3A_217 : vector<1x1x16xf32> to vector<16xf32>
        %add3A_219 = arith.addf %scan3A_182, %get3A_218 : vector<16xf32>
        %get3A_220 = arith.constant 1 : i32
        %get3A_221 = arith.index_cast %get3A_220 : i32 to index
        %get3A_222 = arith.index_cast %scan3A_177 : i32 to index
        %get3A_223 = arith.constant 80 : index
        %get3A_224 = tpu.vector_load %arg6[%get3A_221, %get3A_222, %get3A_223] {strides = array<i32>} : memref<2x128x128xf32, #tpu.memory_space<vmem>>, vector<1x1x16xf32>,
        %get3A_225 = vector.shape_cast %get3A_224 : vector<1x1x16xf32> to vector<16xf32>
        %add3A_226 = arith.addf %scan3A_183, %get3A_225 : vector<16xf32>
        %get3A_227 = arith.constant 1 : i32
        %get3A_228 = arith.index_cast %get3A_227 : i32 to index
        %get3A_229 = arith.index_cast %scan3A_177 : i32 to index
        %get3A_230 = arith.constant 96 : index
        %get3A_231 = tpu.vector_load %arg6[%get3A_228, %get3A_229, %get3A_230] {strides = array<i32>} : memref<2x128x128xf32, #tpu.memory_space<vmem>>, vector<1x1x16xf32>,
        %get3A_232 = vector.shape_cast %get3A_231 : vector<1x1x16xf32> to vector<16xf32>
        %add3A_233 = arith.addf %scan3A_184, %get3A_232 : vector<16xf32>
        %get3A_234 = arith.constant 1 : i32
        %get3A_235 = arith.index_cast %get3A_234 : i32 to index
        %get3A_236 = arith.index_cast %scan3A_177 : i32 to index
        %get3A_237 = arith.constant 112 : index
        %get3A_238 = tpu.vector_load %arg6[%get3A_235, %get3A_236, %get3A_237] {strides = array<i32>} : memref<2x128x128xf32, #tpu.memory_space<vmem>>, vector<1x1x16xf32>,
        %get3A_239 = vector.shape_cast %get3A_238 : vector<1x1x16xf32> to vector<16xf32>
        %add3A_240 = arith.addf %scan3A_185, %get3A_239 : vector<16xf32>
        scf.yield %add3A_191, %add3A_198, %add3A_205, %add3A_212, %add3A_219, %add3A_226, %add3A_233, %add3A_240 : vector<16xf32>, vector<16xf32>, vector<16xf32>, vector<16xf32>, vector<16xf32>, vector<16xf32>, vector<16xf32>, vector<16xf32>
      }
      %scan3A_144 = arith.constant 128 : i32
      %swap3A = arith.constant 0 : index
      %swap3A_145 = tpu.vector_load %arg7[%swap3A] {strides = array<i32>} : memref<128xf32, #tpu.memory_space<vmem>>, vector<16xf32>,
      %swap3A_146 = vector.shape_cast %swap3A_145 : vector<16xf32> to vector<16xf32>
      %swap3A_147 = vector.shape_cast %scan3A_143#0 : vector<16xf32> to vector<16xf32>
      tpu.vector_store %arg7[%swap3A], %swap3A_147 {strides = array<i32>} : memref<128xf32, #tpu.memory_space<vmem>>, vector<16xf32>,
      %swap3A_148 = arith.constant 16 : index
      %swap3A_149 = tpu.vector_load %arg7[%swap3A_148] {strides = array<i32>} : memref<128xf32, #tpu.memory_space<vmem>>, vector<16xf32>,
      %swap3A_150 = vector.shape_cast %swap3A_149 : vector<16xf32> to vector<16xf32>
      %swap3A_151 = vector.shape_cast %scan3A_143#1 : vector<16xf32> to vector<16xf32>
      tpu.vector_store %arg7[%swap3A_148], %swap3A_151 {strides = array<i32>} : memref<128xf32, #tpu.memory_space<vmem>>, vector<16xf32>,
      %swap3A_152 = arith.constant 32 : index
      %swap3A_153 = tpu.vector_load %arg7[%swap3A_152] {strides = array<i32>} : memref<128xf32, #tpu.memory_space<vmem>>, vector<16xf32>,
      %swap3A_154 = vector.shape_cast %swap3A_153 : vector<16xf32> to vector<16xf32>
      %swap3A_155 = vector.shape_cast %scan3A_143#2 : vector<16xf32> to vector<16xf32>
      tpu.vector_store %arg7[%swap3A_152], %swap3A_155 {strides = array<i32>} : memref<128xf32, #tpu.memory_space<vmem>>, vector<16xf32>,
      %swap3A_156 = arith.constant 48 : index
      %swap3A_157 = tpu.vector_load %arg7[%swap3A_156] {strides = array<i32>} : memref<128xf32, #tpu.memory_space<vmem>>, vector<16xf32>,
      %swap3A_158 = vector.shape_cast %swap3A_157 : vector<16xf32> to vector<16xf32>
      %swap3A_159 = vector.shape_cast %scan3A_143#3 : vector<16xf32> to vector<16xf32>
      tpu.vector_store %arg7[%swap3A_156], %swap3A_159 {strides = array<i32>} : memref<128xf32, #tpu.memory_space<vmem>>, vector<16xf32>,
      %swap3A_160 = arith.constant 64 : index
      %swap3A_161 = tpu.vector_load %arg7[%swap3A_160] {strides = array<i32>} : memref<128xf32, #tpu.memory_space<vmem>>, vector<16xf32>,
      %swap3A_162 = vector.shape_cast %swap3A_161 : vector<16xf32> to vector<16xf32>
      %swap3A_163 = vector.shape_cast %scan3A_143#4 : vector<16xf32> to vector<16xf32>
      tpu.vector_store %arg7[%swap3A_160], %swap3A_163 {strides = array<i32>} : memref<128xf32, #tpu.memory_space<vmem>>, vector<16xf32>,
      %swap3A_164 = arith.constant 80 : index
      %swap3A_165 = tpu.vector_load %arg7[%swap3A_164] {strides = array<i32>} : memref<128xf32, #tpu.memory_space<vmem>>, vector<16xf32>,
      %swap3A_166 = vector.shape_cast %swap3A_165 : vector<16xf32> to vector<16xf32>
      %swap3A_167 = vector.shape_cast %scan3A_143#5 : vector<16xf32> to vector<16xf32>
      tpu.vector_store %arg7[%swap3A_164], %swap3A_167 {strides = array<i32>} : memref<128xf32, #tpu.memory_space<vmem>>, vector<16xf32>,
      %swap3A_168 = arith.constant 96 : index
      %swap3A_169 = tpu.vector_load %arg7[%swap3A_168] {strides = array<i32>} : memref<128xf32, #tpu.memory_space<vmem>>, vector<16xf32>,
      %swap3A_170 = vector.shape_cast %swap3A_169 : vector<16xf32> to vector<16xf32>
      %swap3A_171 = vector.shape_cast %scan3A_143#6 : vector<16xf32> to vector<16xf32>
      tpu.vector_store %arg7[%swap3A_168], %swap3A_171 {strides = array<i32>} : memref<128xf32, #tpu.memory_space<vmem>>, vector<16xf32>,
      %swap3A_172 = arith.constant 112 : index
      %swap3A_173 = tpu.vector_load %arg7[%swap3A_172] {strides = array<i32>} : memref<128xf32, #tpu.memory_space<vmem>>, vector<16xf32>,
      %swap3A_174 = vector.shape_cast %swap3A_173 : vector<16xf32> to vector<16xf32>
      %swap3A_175 = vector.shape_cast %scan3A_143#7 : vector<16xf32> to vector<16xf32>
      tpu.vector_store %arg7[%swap3A_172], %swap3A_175 {strides = array<i32>} : memref<128xf32, #tpu.memory_space<vmem>>, vector<16xf32>,
      "tpu.region"() ({
        %run_scoped3A = tpu.sem_alloc : memref<!tpu.dma_semaphore, #tpu.memory_space<semaphore_mem>>
        %dma_start3A_177 = arith.constant 0 : i32
        %dma_start3A_178 = tpu.memref_slice %arg4[%add3A_11, %dma_start3A_177] : memref<4096x128xf32, #tpu.memory_space<hbm>> -> memref<1x128xf32, #tpu.memory_space<hbm>>
        %dma_start3A_179 = tpu.memref_squeeze %dma_start3A_178 : memref<1x128xf32, #tpu.memory_space<hbm>> -> memref<128xf32, #tpu.memory_space<hbm>>
        %dma_start3A_180 = arith.constant 0 : i32
        %dma_start3A_181 = tpu.memref_slice %arg4[%add3A_11, %dma_start3A_180] : memref<4096x128xf32, #tpu.memory_space<hbm>> -> memref<1x128xf32, #tpu.memory_space<hbm>>
        %dma_start3A_182 = tpu.memref_squeeze %dma_start3A_181 : memref<1x128xf32, #tpu.memory_space<hbm>> -> memref<128xf32, #tpu.memory_space<hbm>>
        tpu.enqueue_dma source(%arg7 : memref<128xf32, #tpu.memory_space<vmem>>) target(%dma_start3A_182 : memref<128xf32, #tpu.memory_space<hbm>>) target_semaphore(%run_scoped3A : memref<!tpu.dma_semaphore, #tpu.memory_space<semaphore_mem>>)
        %dma_wait3A_183 = arith.constant 0 : i32
        %dma_wait3A_184 = tpu.memref_slice %arg4[%add3A_11, %dma_wait3A_183] : memref<4096x128xf32, #tpu.memory_space<hbm>> -> memref<1x128xf32, #tpu.memory_space<hbm>>
        %dma_wait3A_185 = tpu.memref_squeeze %dma_wait3A_184 : memref<1x128xf32, #tpu.memory_space<hbm>> -> memref<128xf32, #tpu.memory_space<hbm>>
        %dma_wait3A_186 = arith.constant 0 : i32
        %dma_wait3A_187 = tpu.memref_slice %arg4[%add3A_11, %dma_wait3A_186] : memref<4096x128xf32, #tpu.memory_space<hbm>> -> memref<1x128xf32, #tpu.memory_space<hbm>>
        %dma_wait3A_188 = tpu.memref_squeeze %dma_wait3A_187 : memref<1x128xf32, #tpu.memory_space<hbm>> -> memref<128xf32, #tpu.memory_space<hbm>>
        tpu.wait_dma2 semaphore(%run_scoped3A : memref<!tpu.dma_semaphore, #tpu.memory_space<semaphore_mem>>) src(%arg7 : memref<128xf32, #tpu.memory_space<vmem>>) dst(%dma_wait3A_188 : memref<128xf32, #tpu.memory_space<hbm>>)
        tpu.yield
      }) : () -> ()
      %scan3A_176 = arith.constant 0 : i32
      scf.yield %scan3A_176 : i32
    }
    %scan3A_8 = arith.constant 128 : i32
    return
  }
}

module attributes {stable_mosaic.version = 14 : i64} {
  func.func @body(%arg0: i32, %arg1: memref<512x128xf32, #tpu.memory_space<vmem>>, %arg2: memref<128x160xf32, #tpu.memory_space<vmem>>, %arg3: memref<1x160xf32, #tpu.memory_space<vmem>>, %arg4: memref<160x1xf32, #tpu.memory_space<vmem>>, %arg5: memref<1x1xf32, #tpu.memory_space<vmem>>, %arg6: memref<512x1xf32, #tpu.memory_space<vmem>>) attributes {dimension_semantics = [#tpu.dimension_semantics<arbitrary>], iteration_bounds = array<i64: 8>, scalar_prefetch = 0 : i64, scratch_operands = 0 : i64, tpu.core_type = #tpu.core_type<tc>, window_params = [{transform_indices = @transform_0, window_bounds = array<i64: 512, 128>}, {pipeline_mode = #tpu.pipeline_mode<synchronous>, transform_indices = @transform_1, window_bounds = array<i64: 128, 160>}, {pipeline_mode = #tpu.pipeline_mode<synchronous>, transform_indices = @transform_2, window_bounds = array<i64: 1, 160>}, {pipeline_mode = #tpu.pipeline_mode<synchronous>, transform_indices = @transform_3, window_bounds = array<i64: 160, 1>}, {pipeline_mode = #tpu.pipeline_mode<synchronous>, transform_indices = @transform_4, window_bounds = array<i64: 1, 1>}, {transform_indices = @transform_5, window_bounds = array<i64: 512, 1>}]} {
    %get3A = arith.constant 0 : index
    %get3A_0 = arith.constant 0 : index
    %get3A_1 = vector.load %arg1[%get3A, %get3A_0] : memref<512x128xf32, #tpu.memory_space<vmem>>, vector<512x128xf32>
    %mul3A = arith.constant 2.000000e-03 : f32
    %mul3A_2 = vector.broadcast %mul3A : f32 to vector<512x128xf32>
    %mul3A_3 = arith.mulf %get3A_1, %mul3A_2 : vector<512x128xf32>
    %get3A_4 = arith.constant 0 : index
    %get3A_5 = arith.constant 0 : index
    %get3A_6 = vector.load %arg2[%get3A_4, %get3A_5] : memref<128x160xf32, #tpu.memory_space<vmem>>, vector<128x160xf32>
    %dot_general3A = arith.constant dense<0.000000e+00> : vector<512x160xf32>
    %dot_general3A_7 = tpu.matmul %mul3A_3, %get3A_6, %dot_general3A {dimension_numbers = #tpu.dot_dimension_numbers<[1], [0], [0], [1], [0, 0, 1, 1], [], []>, transpose_lhs_hint = false} : vector<512x128xf32>, vector<128x160xf32>, vector<512x160xf32> -> vector<512x160xf32>
    %get3A_8 = arith.constant 0 : index
    %get3A_9 = arith.constant 0 : index
    %get3A_10 = vector.load %arg3[%get3A_8, %get3A_9] : memref<1x160xf32, #tpu.memory_space<vmem>>, vector<1x160xf32>
    %add3A = vector.broadcast %get3A_10 : vector<1x160xf32> to vector<512x160xf32>
    %add3A_11 = arith.addf %dot_general3A_7, %add3A : vector<512x160xf32>
    %max3A = arith.constant 0.000000e+00 : f32
    %max3A_12 = vector.broadcast %max3A : f32 to vector<512x160xf32>
    %max3A_13 = arith.maximumf %add3A_11, %max3A_12 : vector<512x160xf32>
    %get3A_14 = arith.constant 0 : index
    %get3A_15 = arith.constant 0 : index
    %get3A_16 = vector.load %arg4[%get3A_14, %get3A_15] : memref<160x1xf32, #tpu.memory_space<vmem>>, vector<160x1xf32>
    %dot_general3A_17 = arith.constant dense<0.000000e+00> : vector<512x1xf32>
    %dot_general3A_18 = tpu.matmul %max3A_13, %get3A_16, %dot_general3A_17 {dimension_numbers = #tpu.dot_dimension_numbers<[1], [0], [0], [1], [0, 0, 1, 1], [], []>, transpose_lhs_hint = false} : vector<512x160xf32>, vector<160x1xf32>, vector<512x1xf32> -> vector<512x1xf32>
    %get3A_19 = arith.constant 0 : index
    %get3A_20 = arith.constant 0 : index
    %get3A_21 = vector.load %arg5[%get3A_19, %get3A_20] : memref<1x1xf32, #tpu.memory_space<vmem>>, vector<1x1xf32>
    %add3A_22 = vector.broadcast %get3A_21 : vector<1x1xf32> to vector<512x1xf32>
    %add3A_23 = arith.addf %dot_general3A_18, %add3A_22 : vector<512x1xf32>
    %reduce_max3A = arith.constant dense<0xFF800000> : vector<512xf32>
    %reduce_max3A_24 = vector.multi_reduction <maximumf>, %add3A_23, %reduce_max3A [1] : vector<512x1xf32> to vector<512xf32>
    %broadcast_in_dim3A = vector.shape_cast %reduce_max3A_24 : vector<512xf32> to vector<512x1xf32>
    %sub3A = arith.subf %add3A_23, %broadcast_in_dim3A : vector<512x1xf32>
    %exp3A = math.exp %sub3A : vector<512x1xf32>
    %reduce_sum3A = arith.constant dense<0.000000e+00> : vector<512xf32>
    %reduce_sum3A_25 = vector.multi_reduction <add>, %exp3A, %reduce_sum3A [1] : vector<512x1xf32> to vector<512xf32>
    %broadcast_in_dim3A_26 = vector.shape_cast %reduce_sum3A_25 : vector<512xf32> to vector<512x1xf32>
    %div3A = arith.divf %exp3A, %broadcast_in_dim3A_26 : vector<512x1xf32>
    %swap3A = arith.constant 0 : index
    %swap3A_27 = arith.constant 0 : index
    %swap3A_28 = vector.load %arg6[%swap3A, %swap3A_27] : memref<512x1xf32, #tpu.memory_space<vmem>>, vector<512x1xf32>
    tpu.vector_store %arg6[%swap3A, %swap3A_27], %div3A {strides = array<i32>} : memref<512x1xf32, #tpu.memory_space<vmem>>, vector<512x1xf32>,
    return
  }
  func.func @transform_0(%arg0: i32) -> (i32, i32) {
    %c0_i32 = arith.constant 0 : i32
    %c0_i32_0 = arith.constant 0 : i32
    return %arg0, %c0_i32 : i32, i32
  }
  func.func @transform_1(%arg0: i32) -> (i32, i32) {
    %c0_i32 = arith.constant 0 : i32
    %c0_i32_0 = arith.constant 0 : i32
    %c0_i32_1 = arith.constant 0 : i32
    return %c0_i32, %c0_i32_0 : i32, i32
  }
  func.func @transform_2(%arg0: i32) -> (i32, i32) {
    %c0_i32 = arith.constant 0 : i32
    %c0_i32_0 = arith.constant 0 : i32
    %c0_i32_1 = arith.constant 0 : i32
    return %c0_i32, %c0_i32_0 : i32, i32
  }
  func.func @transform_3(%arg0: i32) -> (i32, i32) {
    %c0_i32 = arith.constant 0 : i32
    %c0_i32_0 = arith.constant 0 : i32
    %c0_i32_1 = arith.constant 0 : i32
    return %c0_i32, %c0_i32_0 : i32, i32
  }
  func.func @transform_4(%arg0: i32) -> (i32, i32) {
    %c0_i32 = arith.constant 0 : i32
    %c0_i32_0 = arith.constant 0 : i32
    %c0_i32_1 = arith.constant 0 : i32
    return %c0_i32, %c0_i32_0 : i32, i32
  }
  func.func @transform_5(%arg0: i32) -> (i32, i32) {
    %c0_i32 = arith.constant 0 : i32
    %c0_i32_0 = arith.constant 0 : i32
    return %arg0, %c0_i32 : i32, i32
  }
}

</mosaic_0001>

<sc_bundles>
// kernel: kernel.4.cloned.1.call-start
scs
__scs_entry_jumppad:
0x0: {  	(pc) =	sbr.rel $0x88, $3  }
0x1: {  	(tag) =	ssettag $0x0;
	lr =	simm.s32 $0x1  }
0x2: {  	[smem:$0x3F9B] =	sst lr;
	_ =	strace $0xD0000000  }
0x3: {  	_ = 	snop  }
0x4: {  	_ = 	snop  }
0x5: {  	_ = 	snop  }
0x6: {  	_ = 	snop  }
0x7: {  	_ = 	snop  }
__scs_overlays_trampoline_lowered:
0x8: {  	[smem:$0x3FAA] =	sst s0  }
0x9: {  	[smem:$0x3FAB] =	sst s1  }
0xa: {  	[smem:$0x3FAC] =	sst s2  }
0xb: {  	[smem:$0x3FAD] =	sst s3  }
0xc: {  	[smem:$0x3FAE] =	sst s4  }
0xd: {  	[smem:$0x3FAF] =	sst s5  }
0xe: {  	[smem:$0x3FB0] =	sst s6  }
0xf: {  	[smem:$0x3FB1] =	sst s7  }
0x10: {  	[smem:$0x3FB2] =	sst s8  }
0x11: {  	[smem:$0x3FB3] =	sst s9;
	s0 =	simm.s32 @!p0 $0x0  }
0x12: {  	s1 =	sld [smem:$0x3F99];
	s0 =	simm.s32 @p0 $0x1  }
0x13: {  	[smem:$0x3FB4] =	sst s0;
	s0 =	simm.s32 @!p1 $0x0  }
0x14: {  	s2 =	sld [smem:$0x3F98];
	s0 =	simm.s32 @p1 $0x1  }
0x15: {  	[smem:$0x3FB5] =	sst s0;
	s0 =	simm.s32 @!p2 $0x0  }
0x16: {  	s3 =	sld [smem:$0x3FDB];
	s0 =	simm.s32 @p2 $0x1  }
0x17: {  	s4 =	simm.s32 $0x1BF5;
	[smem:$0x3FB7] =	sst s0  }
0x18: {  	s0 =	sld [smem:$0x3F9A];
	_ =	swait.ge [sflag:s4], $0x0  }
0x19: {  	s7 =	sld [smem:$0x3F9B]  }
0x1a: {  	s8 =	sadd.s32 $0xFFFFE003, lr  }
0x1b: {  	s9 =	sadd.s32 $0xFFFFFEF7, lr;
	s5 =	simm.s32 $0xFFFFFFFF;
	p2 =	slt.u32 s8, $0xFFFFF086  }
0x1c: {  	p1 =	slt.u32 s9, $0xF7A;
	s5 =	simm.s32 @!p2 $0x0  }
0x1d: {  	s5 =	simm.s32 @p1 $0x1;
	p0 =	seq.s32 s7, s2  }
0x1e: {  	s7 =	smul.u32 @!p0 $0xF7A, s2;
	p2 =	seq.s32 @!p0 s5, $0x0  }
0x1f: {  	s9 =	smul.u32 $0xF7A, s1;
	s8 =	simm.s32 @!p0 $0x1BF5;
	p2 =	por !p2, p0  }
0x20: {  	[sflag:s8] =	ssyncset.s32 @!p0 $0xFFFFF086;
	s6 =	sadd.s32 @!p0 s3, s7;
	s7 =	simm.s32 @!p0 $0x108  }
0x21: {  	s3 =	sadd.s32 s3, s9;
	s6 =	sadd.s32 @!p0 $0x88, s6;
	s7 =	simm.s32 @p2 $0x1082  }
0x22: {  	[simem:s7], [sflag:s8] =	dma.local @!p0 [hbm:s6], $0xF7A  }
0x23: {  	s9 =	sor.u32 $0xD0000000, s2;
	s6 =	simm.s32 $0x108;
	_ =	swait.ge @!p0 [sflag:s8], $0x0  }
0x24: {  	s3 =	sadd.s32 $0x88, s3;
	s6 =	simm.s32 @!p1 $0x1082;
	[sflag:s4] =	ssyncset.s32 $0xFFFFF086  }
0x25: {  	[simem:s6], [sflag:s4] =	dma.local [hbm:s3], $0xF7A  }
0x26: {  	[smem:$0x3F9B] =	sst s1;
	(tag) =	ssettag s2;
	_ =	strace s9  }
0x27: {  	s1 =	sld [smem:$0x3FAB]  }
0x28: {  	s2 =	sld [smem:$0x3FAC]  }
0x29: {  	s4 =	sld [smem:$0x3FAE]  }
0x2a: {  	p0 =	seq.s32 s5, $0x0;
	s5 =	sld [smem:$0x3FAF]  }
0x2b: {  	s6 =	sld [smem:$0x3FB0]  }
0x2c: {  	s7 =	sld [smem:$0x3FB1]  }
0x2d: {  	s3 =	simm.s32 $0x108;
	s8 =	sld [smem:$0x3FB2]  }
0x2e: {  	s3 =	simm.s32 @!p0 $0x1082;
	s9 =	sld [smem:$0x3FB3]  }
0x2f: {  	lr =	sadd.s32 s0, s3;
	s0 =	sld [smem:$0x3FAA]  }
0x30: {  	s3 =	sld [smem:$0x3FAD]  }
0x31: {  	[smem:$0x3FB6] =	sst s10  }
0x32: {  	s10 =	sld [smem:$0x3FB4];
	_ =	sdelay $0x3  }
0x33: {  	p0 =	seq.s32 s10, $0x1;
	s10 =	sld [smem:$0x3FB6];
	_ =	sdelay $0x3  }
0x34: {  	[smem:$0x3FB6] =	sst s10  }
0x35: {  	s10 =	sld [smem:$0x3FB5];
	_ =	sdelay $0x3  }
0x36: {  	p1 =	seq.s32 s10, $0x1;
	s10 =	sld [smem:$0x3FB6];
	_ =	sdelay $0x3  }
0x37: {  	[smem:$0x3FB6] =	sst s10  }
0x38: {  	s10 =	sld [smem:$0x3FB7]  }
0x39: {  	_ = 	snop;
	(pc) =	sbr.ind lr, $3  }
0x3a: {  	_ = 	snop  }
0x3b: {  	_ = 	snop  }
0x3c: {  	p2 =	seq.s32 s10, $0x1;
	s10 =	sld [smem:$0x3FB6]  }
0x3d: {  	_ =	shalt  }
0x3e: {  	_ =	shalt  }
0x3f: {  	_ =	shalt  }
0x40: {  	_ =	shalt  }
0x41: {  	_ =	shalt  }
0x42: {  	_ =	shalt  }
0x43: {  	_ =	shalt  }
0x44: {  	_ =	shalt  }
0x45: {  	_ =	shalt  }
0x46: {  	_ =	shalt  }
0x47: {  	_ =	shalt  }
0x48: {  	_ =	shalt  }
0x49: {  	_ =	shalt  }
0x4a: {  	_ =	shalt  }
0x4b: {  	_ =	shalt  }
0x4c: {  	_ =	shalt  }
0x4d: {  	_ =	shalt  }
0x4e: {  	_ =	shalt  }
0x4f: {  	_ =	shalt  }
0x50: {  	_ =	shalt  }
0x51: {  	_ =	shalt  }
0x52: {  	_ =	shalt  }
0x53: {  	_ =	shalt  }
0x54: {  	_ =	shalt  }
0x55: {  	_ =	shalt  }
0x56: {  	_ =	shalt  }
0x57: {  	_ =	shalt  }
0x58: {  	_ =	shalt  }
0x59: {  	_ =	shalt  }
0x5a: {  	_ =	shalt  }
0x5b: {  	_ =	shalt  }
0x5c: {  	_ =	shalt  }
0x5d: {  	_ =	shalt  }
0x5e: {  	_ =	shalt  }
0x5f: {  	_ =	shalt  }
0x60: {  	_ =	shalt  }
0x61: {  	_ =	shalt  }
0x62: {  	_ =	shalt  }
0x63: {  	_ =	shalt  }
0x64: {  	_ =	shalt  }
0x65: {  	_ =	shalt  }
0x66: {  	_ =	shalt  }
0x67: {  	_ =	shalt  }
0x68: {  	_ =	shalt  }
0x69: {  	_ =	shalt  }
0x6a: {  	_ =	shalt  }
0x6b: {  	_ =	shalt  }
0x6c: {  	_ =	shalt  }
0x6d: {  	_ =	shalt  }
0x6e: {  	_ =	shalt  }
0x6f: {  	_ =	shalt  }
0x70: {  	_ =	shalt  }
0x71: {  	_ =	shalt  }
0x72: {  	_ =	shalt  }
0x73: {  	_ =	shalt  }
0x74: {  	_ =	shalt  }
0x75: {  	_ =	shalt  }
0x76: {  	_ =	shalt  }
0x77: {  	_ =	shalt  }
0x78: {  	_ =	shalt  }
0x79: {  	_ =	shalt  }
0x7a: {  	_ =	shalt  }
0x7b: {  	_ =	shalt  }
0x7c: {  	_ =	shalt  }
0x7d: {  	_ =	shalt  }
0x7e: {  	_ =	shalt  }
0x7f: {  	_ =	shalt  }
0x80: {  	_ =	shalt  }
0x81: {  	_ =	shalt  }
0x82: {  	_ =	shalt  }
0x83: {  	_ =	shalt  }
0x84: {  	_ =	shalt  }
0x85: {  	_ =	shalt  }
0x86: {  	_ =	shalt  }
0x87: {  	_ =	shalt  }
.Lfunc_end0:
.L_simem_size_0:
called_computation_lowered:
.L_overlay_start_0:
0x88: {  	s2 =	sld [smem:$0x3FD9]  }
0x89: {  	s3 =	sld [smem:$0x3FFE];
	_ =	sdelay $0x1  }
0x8a: {  	s1 =	srdreg.scid  }
0x8b: {  	s0 =	sand.u32 $0x1, s1  }
0x8c: {  	s16 =	sshll.u32 s0, $0xA;
	s2 =	sadd.s32 s3, s2  }
0x8d: {  	s2 =	sadd.s32 s2, s16  }
0x8e: {  	[smem:$0x3FC2] =	sst s2  }
0x8f: {  	_ = 	snop  }
0x90: {  	(tm) =	ssettm $0x1  }
0x91: {  	s17 =	sld [smem:$0x3FFB];
	_ =	sdelay $0x3  }
0x92: {  	_ =	strace s17  }
0x93: {  	s2 =	sld [smem:$0x3FFC];
	_ =	sdelay $0x3  }
0x94: {  	_ =	strace s2  }
0x95: {  	s2 =	sld [smem:$0x3FFD];
	_ =	sdelay $0x3  }
0x96: {  	_ =	strace s2  }
0x97: {  	_ =	strace $0x8FFFFFFF  }
0x98: {  	s18 =	sld [smem:$0x3FDB];
	_ =	sdelay $0x1  }
0x99: {  	s19 =	simm.s32 $_scs_section_size  }
0x9a: {  	s4 =	simm.s32 $_size__tile_overlayer_lowered;
	s5 =	simm.s32 $_tile_overlayer_lowered  }
0x9b: {  	s22 =	simm.s32 $0x1BFF;
	s21 =	sshll.u32 s5, $0x1;
	s2 =	sadd.s32 s19, s18  }
0x9c: {  	s6 =	simm.s32 $0x0;
	s20 =	sshll.u32 s4, $0x1;
	s4 =	sadd.s32 s21, s2  }
0x9d: {  	[timem:s6], [sflag:s22] =	dma.local [hbm:s4], s20  }
0x9e: {  	_ =	swait.ge [sflag:s22], s20  }
0x9f: {  	s3 =	ssub.s32 $0x0, s20;
	[sflag:s22] =	ssyncset.done $0x0  }
0xa0: {  	[sflag:s22] =	ssyncadd.s32 s3;
	_ =	sdelay $0x1  }
0xa1: {  	s23 =	simm.s32 $0x1B8B  }
0xa2: {  	_ =	swait.ge [sflag:s23], $0x1  }
0xa3: {  	[sflag:s23] =	ssyncset.done $0x0  }
0xa4: {  	s25 =	simm.s32 $0x1B8E;
	s24 =	sld [smem:$0x3FFE];
	[sflag:s23] =	ssyncadd.s32 $0xFFFFFFFF  }
0xa5: {  	s26 =	simm.s32 $execute0_lowered;
	[smem:$0x3FD2] =	sst s25  }
0xa6: {  	s4 =	sshll.u32 s26, $0x1;
	_ =	strace $0x80000046;
	[dreg:$0x1] =	wrdreg $0xFFFFFFFF  }
0xa7: {  	s28 =	simm.s32 $_size_execute0_lowered;
	s2 =	sadd.s32 s2, s4;
	[dreg:$0x0] =	wrdreg $0x0  }
0xa8: {  	s4 =	sshll.u32 s28, $0x1;
	[dreg:$0x2] =	wrdreg s2  }
0xa9: {  	[dreg:$0x3] =	wrdreg s4  }
0xaa: {  	[dreg:$0x4] =	wrdreg $0xC0  }
0xab: {  	_ =	task [dreg:s6], $0x5FFFF  }
0xac: {  	[dreg:$0x1] =	wrdreg $0xFFFFFFFF  }
0xad: {  	[dreg:$0x0] =	wrdreg $0x60  }
0xae: {  	[dreg:$0x2] =	wrdreg s24  }
0xaf: {  	[dreg:$0x3] =	wrdreg $0x9  }
0xb0: {  	_ =	task.clear_ibuf [dreg:s6], $0x4FFFF;
	_ =	strace $0x90000046  }
0xb1: {  	s29 =	simm.s32 $0x9;
	_ =	strace $0x80000048  }
0xb2: {  	_ =	swait.ge [sflag:s29], $0x1  }
0xb3: {  	[sflag:s29] =	ssyncadd.s32 $0xFFFFFFFF  }
0xb4: {  	_ =	strace $0x90000048  }
0xb5: {  	_ =	sfence  }
0xb6: {  	s30 =	sld [smem:$0x0];
	_ =	sdelay $0x2  }
0xb7: {  	s31 =	sshll.u32 s1, $0xD;
	s1 =	sshrl.u32 s1, $0x2  }
0xb8: {  	s3 =	sand.u32 $0x4000, s31;
	s1 =	sadd.s32 s1, s30  }
0xb9: {  	s0 =	sor.u32 s3, s0;
	s1 =	sshll.u32 s1, $0x11  }
0xba: {  	s0 =	sor.u32 s1, s0  }
0xbb: {  	s0 =	sadd.s32 $0x8F2B, s0  }
0xbc: {  	[sflag:s0] =	ssyncadd.remote.s32 $0x1  }
0xbd: {  	_ =	sfence.sel $0xFFFF  }
0xbe: {  	[dreg:$0x0] =	wrdreg $0xFFFFFFFF;
	(pc) =	sbr.abs _section_cstart, $3  }
0xbf: {  	[dreg:$0x1] =	wrdreg $0xFFFFFFFF  }
0xc0: {  	_ =	task.clear_ibuf [dreg:s6], $0x2FFFF;
	_ =	strace $0x9FFFFFFF  }
0xc1: {  	(tm) =	ssettm $0x7FFFFFFF  }
tec
execute0_lowered:
.L_overlay_start_1:
0x0: {  	(tag) =	ssettag $0x1  }
0x1: {  	s2 =	rddreg [dreg:$0x0]  }
0x2: {  	s0 =	rddreg [dreg:$0x1];
	s1 =	simm.s32 $0x0;
	s3 =	srdreg.scid  }
0x3: {  	s9 =	simm.s32 $0x80;
	s10 =	simm.s32 $0x200;
	s11 =	simm.s32 $0x4200  }
0x4: {  	s12 =	simm.s32 $0x1;
	s13 =	simm.s32 $0x100;
	s14 =	simm.s32 $0x2  }
0x5: {  	s15 =	simm.s32 $0x180;
	s16 =	simm.s32 $0x8200;
	s17 =	simm.s32 $0x0  }
0x6: {  	[smem:$0x7FF] =	sst s1;
	s6 =	sand.u32 $0x1, s3;
	s3 =	sadd.s32 $0x1400, s2  }
0x7: {  	s4 =	sadd.s32 $0x41400, s2;
	s5 =	sadd.s32 $0x68600, s2;
	s7 =	ssub.s32 $0x2, s6  }
0x8: {  	s2 =	stileid.u32;
	_ =	strace $0x80000047;
	s8 =	sshrl.u32 s7, $0x1  }
0x9: {  	s31 =	sshll.u32 s2, $0x8;
	s6 =	sshll.u32 s6, $0x7;
	s7 =	ssub.s32 s7, s8  }
0xa: {  	s6 =	sor.u32 s6, s31;
	s8 =	simm.s32 $0x3;
	s7 =	smax.u32 s7, $0x1  }
.LBB2_1:
0xb: {  	s18 =	simm.s32 $0x0  }
.LBB2_2:
0xc: {  	s19 =	sadd.s32 s6, s18  }
0xd: {  	s20 =	sshll.u32 s19, $0x6  }
0xe: {  	s21 =	simm.s32 $0x0;
	s20 =	sadd.s32 s3, s20  }
0xf: {  	[tilespmem:s21], [sflag:$0x3] =	stream.linear.gather [hbm4b:s20+s21], $0x200, $0x38;
	[tilespmem:$0x8280] =	vst v63  }
0x10: {  	_ =	swait.ge [sflag:s8], $0x200  }
0x11: {  	[sflag:s8] =	ssyncset.done $0x0  }
0x12: {  	[sflag:s8] =	ssyncadd.s32 $0xFFFFFE00  }
0x13: {  	[tilespmem:s10], [sflag:$0x1] =	stream.indirect.gather [hbm4b:s4+s9], $0x80, s21, s9, $0xb8;
	[tilespmem:$0x8280] =	vst v63  }
0x14: {  	_ = 	snop  }
0x15: {  	[tilespmem:s11], [sflag:$0x2] =	stream.indirect.gather [hbm4b:s4+s9], $0x80, s9, s9, $0xb8;
	[tilespmem:$0x8280] =	vst v63  }
0x16: {  	_ =	swait.ge [sflag:s12], $0x4000  }
0x17: {  	[sflag:s12] =	ssyncset.done $0x0  }
0x18: {  	s22 =	simm.s32 $0x0;
	[sflag:s12] =	ssyncadd.s32 $0xFFFFC000  }
0x19: {  	v0 =	vld [tilespmem:s22+$0x270]  }
0x1a: {  	v2 =	vld [tilespmem:s22+$0x200]  }
0x1b: {  	v4 =	vld [tilespmem:s22+$0x210]  }
0x1c: {  	v5 =	vld [tilespmem:s22+$0x220]  }
0x1d: {  	v8 =	vld [tilespmem:s22+$0x230]  }
0x1e: {  	v3 =	vimm.f32 $0.0e+00;
	v9 =	vimm.f32 $0.0e+00;
	v6 =	vld [tilespmem:s22+$0x240]  }
0x1f: {  	v10 =	vimm.f32 $0.0e+00;
	v7 =	vimm.f32 $0.0e+00;
	v11 =	vld [tilespmem:s22+$0x250];
	v1 =	vadd.f32 v0, v3  }
0x20: {  	s20 =	simm.s32 $0x80;
	s21 =	simm.s32 $0x400;
	v12 =	vld [tilespmem:s22+$0x260];
	v0 =	vadd.f32 v2, v3;
	v2 =	vadd.f32 v4, v3;
	v4 =	vimm.f32 $0.0e+00  }
.LBB2_3:
0x21: {  	p0 =	sne.s32 s21, $0xFE00;
	v13 =	vld [tilespmem:s20+$0x270];
	v3 =	vadd.f32 v5, v3  }
0x22: {  	v14 =	vld [tilespmem:s20+$0x200];
	v4 =	vadd.f32 v8, v4  }
0x23: {  	v15 =	vld [tilespmem:s20+$0x210];
	v9 =	vadd.f32 v6, v9  }
.Ltmp0:
0x24: {  	v5 =	vld [tilespmem:s20+$0x220];
	v10 =	vadd.f32 v11, v10;
	(pc) =	sbr.rel @p0 .LBB2_3-.Ltmp0, $4  }
0x25: {  	v8 =	vld [tilespmem:s20+$0x230];
	v7 =	vadd.f32 v12, v7  }
0x26: {  	v6 =	vld [tilespmem:s20+$0x240];
	v1 =	vadd.f32 v13, v1  }
0x27: {  	v0 =	vadd.f32 v14, v0;
	v11 =	vld [tilespmem:s20+$0x250]  }
0x28: {  	v2 =	vadd.f32 v15, v2;
	v12 =	vld [tilespmem:s20+$0x260];
	s20 =	sshra.s32 s21, $0x2;
	s21 =	sadd.s32 $0x200, s21  }
0x29: {  	v13 =	vld [tilespmem:s20+$0x270]  }
0x2a: {  	v14 =	vld [tilespmem:s20+$0x200]  }
0x2b: {  	v15 =	vld [tilespmem:s20+$0x210]  }
0x2c: {  	v16 =	vld [tilespmem:s20+$0x220]  }
0x2d: {  	v17 =	vld [tilespmem:s20+$0x230]  }
0x2e: {  	v18 =	vld [tilespmem:s20+$0x240]  }
0x2f: {  	v19 =	vld [tilespmem:s20+$0x250]  }
0x30: {  	v20 =	vld [tilespmem:s20+$0x260];
	[tilespmem:s10], [sflag:$0x1] =	stream.indirect.gather [hbm4b:s4+s9], $0x80, s13, s9, $0xb8  }
0x31: {  	_ =	swait.ge [sflag:s14], $0x4000  }
0x32: {  	[sflag:s14] =	ssyncset.done $0x0  }
0x33: {  	s22 =	simm.s32 $0x0;
	[sflag:s14] =	ssyncadd.s32 $0xFFFFC000  }
0x34: {  	v3 =	vadd.f32 v5, v3;
	v4 =	vadd.f32 v8, v4;
	v5 =	vld [tilespmem:s22+$0x4270]  }
0x35: {  	v6 =	vadd.f32 v6, v9;
	v10 =	vadd.f32 v11, v10;
	v21 =	vld [tilespmem:s22+$0x4200]  }
0x36: {  	v7 =	vadd.f32 v12, v7;
	v12 =	vld [tilespmem:s22+$0x4210];
	v11 =	vadd.f32 v13, v1  }
0x37: {  	v8 =	vld [tilespmem:s22+$0x4220];
	v13 =	vadd.f32 v14, v0;
	v14 =	vadd.f32 v15, v2  }
0x38: {  	v9 =	vld [tilespmem:s22+$0x4230];
	v0 =	vadd.f32 v16, v3;
	v1 =	vadd.f32 v17, v4  }
0x39: {  	v2 =	vadd.f32 v18, v6;
	v3 =	vadd.f32 v19, v10;
	v10 =	vld [tilespmem:s22+$0x4240]  }
0x3a: {  	v4 =	vadd.f32 v20, v7;
	v5 =	vadd.f32 v5, v11;
	v11 =	vld [tilespmem:s22+$0x4250]  }
0x3b: {  	s20 =	simm.s32 $0x80;
	s21 =	simm.s32 $0x400;
	v6 =	vadd.f32 v21, v13;
	v7 =	vadd.f32 v12, v14;
	v12 =	vld [tilespmem:s22+$0x4260]  }
.LBB2_5:
0x3c: {  	p0 =	sne.s32 s21, $0xFE00;
	v13 =	vld [tilespmem:s20+$0x4270];
	v0 =	vadd.f32 v8, v0  }
0x3d: {  	v14 =	vld [tilespmem:s20+$0x4200];
	v1 =	vadd.f32 v9, v1  }
0x3e: {  	v15 =	vld [tilespmem:s20+$0x4210];
	v2 =	vadd.f32 v10, v2  }
.Ltmp1:
0x3f: {  	v8 =	vld [tilespmem:s20+$0x4220];
	v3 =	vadd.f32 v11, v3;
	(pc) =	sbr.rel @p0 .LBB2_5-.Ltmp1, $4  }
0x40: {  	v9 =	vld [tilespmem:s20+$0x4230];
	v4 =	vadd.f32 v12, v4  }
0x41: {  	v10 =	vld [tilespmem:s20+$0x4240];
	v5 =	vadd.f32 v13, v5  }
0x42: {  	v6 =	vadd.f32 v14, v6;
	v11 =	vld [tilespmem:s20+$0x4250]  }
0x43: {  	v7 =	vadd.f32 v15, v7;
	v12 =	vld [tilespmem:s20+$0x4260];
	s20 =	sshra.s32 s21, $0x2;
	s21 =	sadd.s32 $0x200, s21  }
0x44: {  	v13 =	vld [tilespmem:s20+$0x4270]  }
0x45: {  	v14 =	vld [tilespmem:s20+$0x4200]  }
0x46: {  	v15 =	vld [tilespmem:s20+$0x4210]  }
0x47: {  	v16 =	vld [tilespmem:s20+$0x4220]  }
0x48: {  	v17 =	vld [tilespmem:s20+$0x4230]  }
0x49: {  	v18 =	vld [tilespmem:s20+$0x4240]  }
0x4a: {  	v19 =	vld [tilespmem:s20+$0x4250]  }
0x4b: {  	v20 =	vld [tilespmem:s20+$0x4260];
	[tilespmem:s11], [sflag:$0x2] =	stream.indirect.gather [hbm4b:s4+s9], $0x80, s15, s9, $0xb8  }
0x4c: {  	_ =	swait.ge [sflag:s12], $0x4000  }
0x4d: {  	[sflag:s12] =	ssyncset.done $0x0  }
0x4e: {  	s22 =	simm.s32 $0x0;
	[sflag:s12] =	ssyncadd.s32 $0xFFFFC000  }
0x4f: {  	v0 =	vadd.f32 v8, v0;
	v1 =	vadd.f32 v9, v1;
	v21 =	vld [tilespmem:s22+$0x270]  }
0x50: {  	v2 =	vadd.f32 v10, v2;
	v3 =	vadd.f32 v11, v3;
	v22 =	vld [tilespmem:s22+$0x200]  }
0x51: {  	v4 =	vadd.f32 v12, v4;
	v12 =	vld [tilespmem:s22+$0x210];
	v5 =	vadd.f32 v13, v5  }
0x52: {  	v8 =	vld [tilespmem:s22+$0x220];
	v6 =	vadd.f32 v14, v6;
	v7 =	vadd.f32 v15, v7  }
0x53: {  	v9 =	vld [tilespmem:s22+$0x230];
	v0 =	vadd.f32 v16, v0;
	v1 =	vadd.f32 v17, v1  }
0x54: {  	v10 =	vld [tilespmem:s22+$0x240];
	v2 =	vadd.f32 v18, v2;
	v3 =	vadd.f32 v19, v3  }
0x55: {  	v11 =	vld [tilespmem:s22+$0x250];
	v4 =	vadd.f32 v20, v4;
	v5 =	vadd.f32 v21, v5  }
0x56: {  	s20 =	simm.s32 $0x80;
	s21 =	simm.s32 $0x400;
	v6 =	vadd.f32 v22, v6;
	v7 =	vadd.f32 v12, v7;
	v12 =	vld [tilespmem:s22+$0x260]  }
.LBB2_7:
0x57: {  	p0 =	sne.s32 s21, $0xFE00;
	v13 =	vld [tilespmem:s20+$0x270];
	v0 =	vadd.f32 v8, v0  }
0x58: {  	v14 =	vld [tilespmem:s20+$0x200];
	v1 =	vadd.f32 v9, v1  }
0x59: {  	v15 =	vld [tilespmem:s20+$0x210];
	v2 =	vadd.f32 v10, v2  }
.Ltmp2:
0x5a: {  	v8 =	vld [tilespmem:s20+$0x220];
	v3 =	vadd.f32 v11, v3;
	(pc) =	sbr.rel @p0 .LBB2_7-.Ltmp2, $4  }
0x5b: {  	v9 =	vld [tilespmem:s20+$0x230];
	v4 =	vadd.f32 v12, v4  }
0x5c: {  	v10 =	vld [tilespmem:s20+$0x240];
	v5 =	vadd.f32 v13, v5  }
0x5d: {  	v6 =	vadd.f32 v14, v6;
	v11 =	vld [tilespmem:s20+$0x250]  }
0x5e: {  	v7 =	vadd.f32 v15, v7;
	v12 =	vld [tilespmem:s20+$0x260];
	s20 =	sshra.s32 s21, $0x2;
	s21 =	sadd.s32 $0x200, s21  }
0x5f: {  	v13 =	vld [tilespmem:s20+$0x270]  }
0x60: {  	v14 =	vld [tilespmem:s20+$0x200]  }
0x61: {  	v15 =	vld [tilespmem:s20+$0x210]  }
0x62: {  	v16 =	vld [tilespmem:s20+$0x220]  }
0x63: {  	v17 =	vld [tilespmem:s20+$0x230]  }
0x64: {  	v18 =	vld [tilespmem:s20+$0x240]  }
0x65: {  	v19 =	vld [tilespmem:s20+$0x250]  }
0x66: {  	v20 =	vld [tilespmem:s20+$0x260];
	_ =	swait.ge [sflag:s14], $0x4000  }
0x67: {  	[sflag:s14] =	ssyncset.done $0x0  }
0x68: {  	s22 =	simm.s32 $0x0;
	[sflag:s14] =	ssyncadd.s32 $0xFFFFC000  }
0x69: {  	v0 =	vadd.f32 v8, v0;
	v1 =	vadd.f32 v9, v1;
	v9 =	vld [tilespmem:s22+$0x4270]  }
0x6a: {  	v2 =	vadd.f32 v10, v2;
	v8 =	vadd.f32 v11, v3;
	v10 =	vld [tilespmem:s22+$0x4200]  }
0x6b: {  	v11 =	vadd.f32 v12, v4;
	v12 =	vadd.f32 v13, v5;
	v13 =	vld [tilespmem:s22+$0x4210]  }
0x6c: {  	v14 =	vadd.f32 v14, v6;
	v15 =	vadd.f32 v15, v7;
	v6 =	vld [tilespmem:s22+$0x4220]  }
0x6d: {  	v5 =	vadd.f32 v16, v0;
	v4 =	vadd.f32 v17, v1;
	v7 =	vld [tilespmem:s22+$0x4230]  }
0x6e: {  	v3 =	vadd.f32 v18, v2;
	v2 =	vadd.f32 v19, v8;
	v8 =	vld [tilespmem:s22+$0x4240]  }
0x6f: {  	v1 =	vadd.f32 v20, v11;
	v0 =	vadd.f32 v9, v12;
	v9 =	vld [tilespmem:s22+$0x4250]  }
0x70: {  	s20 =	simm.s32 $0x80;
	s21 =	simm.s32 $0x400;
	v10 =	vadd.f32 v10, v14;
	v12 =	vld [tilespmem:s22+$0x4260];
	v11 =	vadd.f32 v13, v15  }
.LBB2_9:
0x71: {  	p0 =	sne.s32 s21, $0xFE00;
	v13 =	vld [tilespmem:s20+$0x4270];
	v5 =	vadd.f32 v6, v5  }
0x72: {  	v14 =	vld [tilespmem:s20+$0x4200];
	v4 =	vadd.f32 v7, v4  }
0x73: {  	v15 =	vld [tilespmem:s20+$0x4210];
	v3 =	vadd.f32 v8, v3  }
.Ltmp3:
0x74: {  	v6 =	vld [tilespmem:s20+$0x4220];
	v2 =	vadd.f32 v9, v2;
	(pc) =	sbr.rel @p0 .LBB2_9-.Ltmp3, $4  }
0x75: {  	v7 =	vld [tilespmem:s20+$0x4230];
	v1 =	vadd.f32 v12, v1  }
0x76: {  	v8 =	vld [tilespmem:s20+$0x4240];
	v0 =	vadd.f32 v13, v0  }
0x77: {  	v10 =	vadd.f32 v14, v10;
	v9 =	vld [tilespmem:s20+$0x4250]  }
0x78: {  	v11 =	vadd.f32 v15, v11;
	v12 =	vld [tilespmem:s20+$0x4260];
	s20 =	sshra.s32 s21, $0x2;
	s21 =	sadd.s32 $0x200, s21  }
0x79: {  	v14 =	vld [tilespmem:s20+$0x4200]  }
0x7a: {  	v15 =	vld [tilespmem:s20+$0x4210]  }
0x7b: {  	v16 =	vld [tilespmem:s20+$0x4220]  }
0x7c: {  	v17 =	vld [tilespmem:s20+$0x4230]  }
0x7d: {  	v18 =	vld [tilespmem:s20+$0x4240]  }
0x7e: {  	v5 =	vadd.f32 v6, v5;
	v61 =	vld [tilespmem:s20+$0x4250];
	v60 =	vadd.f32 v14, v10  }
0x7f: {  	v13 =	vld [tilespmem:s20+$0x4270];
	v4 =	vadd.f32 v7, v4;
	v62 =	vadd.f32 v15, v11  }
0x80: {  	v63 =	vld [tilespmem:s20+$0x4260];
	v3 =	vadd.f32 v8, v3;
	v5 =	vadd.f32 v16, v5;
	[tilespmem:$0x8200] =	vst v60  }
0x81: {  	v2 =	vadd.f32 v9, v2;
	v4 =	vadd.f32 v17, v4;
	[tilespmem:$0x8210] =	vst v62  }
0x82: {  	v3 =	vadd.f32 v18, v3;
	[tilespmem:$0x8220] =	vst v5  }
0x83: {  	v1 =	vadd.f32 v12, v1;
	v2 =	vadd.f32 v61, v2;
	[tilespmem:$0x8230] =	vst v4  }
0x84: {  	s31 =	sshll.u32 s18, $0x4;
	v0 =	vadd.f32 v13, v0;
	[tilespmem:$0x8240] =	vst v3  }
0x85: {  	s19 =	sshll.u32 s19, $0x4;
	s18 =	sadd.s32 $0x1, s18;
	s20 =	sand.u32 $0x70, s31;
	v1 =	vadd.f32 v63, v1;
	[tilespmem:$0x8250] =	vst v2  }
0x86: {  	s19 =	sand.u32 $0xFF80, s19;
	p0 =	sne.s32 s18, $0x80;
	s20 =	sadd.s32 s5, s20;
	[tilespmem:$0x8270] =	vst v0  }
.Ltmp4:
0x87: {  	s19 =	sadd.s32 s19, s20;
	[tilespmem:$0x8260] =	vst v1;
	(pc) =	sbr.rel @p0 .LBB2_2-.Ltmp4, $4  }
0x88: {  	[hbm4b:s19+s1] =	stream.linear.scatter [tilespmem:s16], [sflag:$0x3], $0x80, $0x38;
	[tilespmem:$0x8280] =	vst v63  }
0x89: {  	_ =	swait.ge [sflag:s8], $0x80  }
0x8a: {  	[sflag:s8] =	ssyncset.done $0x0  }
0x8b: {  	[sflag:s8] =	ssyncadd.s32 $0xFFFFFF80  }
0x8c: {  	s17 =	sadd.s32 $0x1, s17  }
0x8d: {  	p0 =	sne.s32 s17, s7  }
.Ltmp5:
0x8e: {  	_ = 	snop;
	(pc) =	sbr.rel @p0 .LBB2_1-.Ltmp5, $1  }
0x8f: {  	_ =	sdelay $0x3  }
0x90: {  	_ =	sfence.sel $0x180000  }
0x91: {  	[bflag:$0x0] =	sbarrier.arrive $0xFFFF  }
0x92: {  	p0 =	sne.s32 s2, $0x0;
	_ =	strace $0x90000047  }
0x93: {  	s0 =	sadd.s32 @!p0 $0x100000, s0;
	[bflag:$0x2] =	sbarrier.arrive $0xFFFF  }
0x94: {  	[sflag:s0] =	ssyncadd.tile.s32 @!p0 $0x1;
	_ =	shalt  }
.Lfunc_end2:
_tile_overlayer_lowered:
.L_overlay_start_2:
0x95: {  	(tag) =	ssettag $0x2  }
0x96: {  	s0 =	rddreg [dreg:$0x0];
	s2 =	stileid.u32  }
0x97: {  	s1 =	rddreg [dreg:$0x1];
	p0 =	sne.s32 s2, $0x0  }
0x98: {  	s3 =	rddreg [dreg:$0x2];
	[bflag:$0x3] =	sbarrier.arrive $0xFFFF;
	s2 =	simm.s32 @!p0 $0x1C03  }
0x99: {  	[timem:s3], [sflag:s2] =	dma.local @!p0 [hbm:s0], s1  }
0x9a: {  	s0 =	simm.s32 @!p0 $0x3  }
0x9b: {  	_ =	swait.ge @!p0 [sflag:s0], s1  }
0x9c: {  	s1 =	ssub.s32 @!p0 $0x0, s1;
	[sflag:s0] =	ssyncset.done @!p0 $0x0  }
0x9d: {  	[sflag:s0] =	ssyncadd.s32 @!p0 s1  }
0x9e: {  	[bflag:$0x3] =	sbarrier.arrive $0xFFFF  }
0x9f: {  	_ =	shalt  }

</sc_bundles>
